<compile_context>
chip_gen: v7x
topology: tpu7x:2x2x1
jax: 0.10.2.dev20260603
libtpu: 0.0.44.dev20260713+nightly
codegen_flags: <defaults>
</compile_context>

<pallas_src>
import functools

import jax
import jax.numpy as jnp
from jax import lax
from jax.experimental import pallas as pl
from jax.experimental.pallas import tpu as pltpu
from jax.experimental.pallas import tpu_sc as plsc

NQ = 8
V = 100000
D = 32
B = 4096
T = 50
NW = 32
W = B // NW


@functools.partial(
    pl.kernel,
    mesh=plsc.VectorSubcoreMesh(core_axis_name="c", subcore_axis_name="s"),
    out_type=jax.ShapeDtypeStruct((T, D, B), jnp.float32),
    compiler_params=pltpu.CompilerParams(use_tc_tiling_on_sc=False,
                                         needs_layout_passes=False),
    scratch_types=[
        pltpu.VMEM((NQ, 16), jnp.float32),
        pltpu.VMEM((NQ * T, W), jnp.int32),
        pltpu.VMEM((2, NQ, W, D), jnp.float32),
        pltpu.VMEM((2, D, W), jnp.float32),
        pltpu.SemaphoreType.DMA,
        pltpu.SemaphoreType.DMA,
        pltpu.SemaphoreType.DMA,
        pltpu.SemaphoreType.DMA,
    ],
)
def _wce(tok_hbm, tab_hbm, w_hbm, out_hbm,
         w_v, toks_v, rows_v, acc_v, gsem0, gsem1, osem0, osem1):
    wid = lax.axis_index("s") * 2 + lax.axis_index("c")
    b0 = pl.multiple_of(wid * W, W)
    pltpu.sync_copy(w_hbm, w_v)
    pltpu.sync_copy(tok_hbm.at[:, pl.ds(b0, W)], toks_v)
    gsems = (gsem0, gsem1)
    osems = (osem0, osem1)
    ci = jnp.arange(16, dtype=jnp.int32)

    def fire(b, t0):
        for i in range(NQ):
            pltpu.async_copy(
                tab_hbm.at[i].at[toks_v.at[i * T + t0]],
                rows_v.at[b, i], gsems[b])

    def drain(b, t0):
        for i in range(NQ):
            pltpu.make_async_copy(
                tab_hbm.at[i].at[toks_v.at[i * T + t0]],
                rows_v.at[b, i], gsems[b]).wait()

    def accum_store(b, t0, first):
        @pl.when(jnp.logical_not(first))
        def _():
            pltpu.make_async_copy(
                acc_v.at[b], out_hbm.at[0, :, pl.ds(0, W)], osems[b]).wait()

        def rowbody(j, carry):
            lo = rows_v[b, 0, j, pl.ds(0, 16)] * w_v[0, :]
            hi = rows_v[b, 0, j, pl.ds(16, 16)] * w_v[0, :]
            for i in range(1, NQ):
                lo = lo + rows_v[b, i, j, pl.ds(0, 16)] * w_v[i, :]
                hi = hi + rows_v[b, i, j, pl.ds(16, 16)] * w_v[i, :]
            js = jnp.full((16,), 0, jnp.int32) + j
            plsc.store_scatter(acc_v.at[b], [ci, js], lo)
            plsc.store_scatter(acc_v.at[b], [ci + 16, js], hi)
            return carry

        lax.fori_loop(0, W, rowbody, 0)
        pltpu.async_copy(acc_v.at[b], out_hbm.at[t0, :, pl.ds(b0, W)],
                         osems[b])

    fire(0, 0)

    def pair(p, carry):
        t0a = 2 * p
        fire(1, t0a + 1)
        drain(0, t0a)
        accum_store(0, t0a, p == 0)

        @pl.when(p < T // 2 - 1)
        def _():
            fire(0, t0a + 2)

        drain(1, t0a + 1)
        accum_store(1, t0a + 1, p == 0)
        return carry

    lax.fori_loop(0, T // 2, pair, 0)
    pltpu.make_async_copy(
        acc_v.at[0], out_hbm.at[0, :, pl.ds(0, W)], osem0).wait()
    pltpu.make_async_copy(
        acc_v.at[1], out_hbm.at[0, :, pl.ds(0, W)], osem1).wait()


def kernel(tokens, tables, weights):
    tok_nat = jnp.transpose(tokens)
    w_rep = jnp.broadcast_to(weights[:, None], (NQ, 16))
    out_p = _wce(tok_nat, tables, w_rep)
    return jnp.transpose(out_p, (2, 0, 1))

# --- scband reference (transcript-rebuilt; emitter-appended) ---
"""Pipeline reference for scband-weighted-codebook-embedding-17343077941713 (READ-ONLY COPY).

The authoritative reference and input builder live on the scoring server;
editing this copy changes nothing except your own understanding.
"""

import jax, jax.numpy as jnp
import numpy as np

NQ = 8
TOKEN_SIZE = 100000
EMBED_DIM = 32
BATCH = 4096
TOKEN_LEN = 50


def setup_inputs(seed: int = 0) -> dict:
    key = jax.random.key(seed)
    k1, k2 = jax.random.split(key, 2)
    tokens = jax.random.randint(k1, (BATCH, NQ * TOKEN_LEN), 0, TOKEN_SIZE, dtype=jnp.int32)
    # learned params: one embedding table per codebook, stacked: (nq, token_size, embed_dim)
    tables = jax.random.normal(k2, (NQ, TOKEN_SIZE, EMBED_DIM), dtype=jnp.float32)
    weights = jnp.ones((NQ,), dtype=jnp.float32) / NQ
    return {"tokens": tokens, "tables": tables, "weights": weights}


def reference(tokens, tables, weights):
    batch_size, total_length = tokens.shape
    assert total_length % NQ == 0
    token_length = total_length // NQ
    tok = tokens.reshape(batch_size, NQ, token_length)
    if NQ == 1:
        return jnp.take(tables[0], tok[:, 0, :], axis=0)
    # per-codebook embedding lookup (gather), then stack: (nq, B, T, D)
    embeddings = jnp.stack([jnp.take(tables[i], tok[:, i, :], axis=0) for i in range(NQ)], axis=0)
    weighted_sum = jnp.einsum('i,ibtd->btd', weights, embeddings)
    return weighted_sum

if __name__ == "__main__":
    import jax
    _d = setup_inputs()
    print(jax.jit(kernel)(*tuple(_d.values())))

</pallas_src>

<mosaic_0001>
#map = affine_map<(d0, d1) -> (0, 0)>
#map1 = affine_map<(d0, d1) -> (0, 0, 0)>
module attributes {stable_mosaic.version = 14 : i64} {
  func.func @_wce(%arg0: i32, %arg1: i32, %arg2: memref<400x4096xi32, #tpu.memory_space<hbm>>, %arg3: memref<8x100000x32xf32, #tpu.memory_space<hbm>>, %arg4: memref<8x16xf32, #tpu.memory_space<hbm>>, %arg5: memref<50x32x4096xf32, #tpu.memory_space<hbm>>, %arg6: memref<8x16xf32, #tpu.memory_space<vmem>>, %arg7: memref<400x128xi32, #tpu.memory_space<vmem>>, %arg8: memref<2x8x128x32xf32, #tpu.memory_space<vmem>>, %arg9: memref<2x32x128xf32, #tpu.memory_space<vmem>>, %arg10: memref<!tpu.dma_semaphore, #tpu.memory_space<semaphore_mem>>, %arg11: memref<!tpu.dma_semaphore, #tpu.memory_space<semaphore_mem>>, %arg12: memref<!tpu.dma_semaphore, #tpu.memory_space<semaphore_mem>>, %arg13: memref<!tpu.dma_semaphore, #tpu.memory_space<semaphore_mem>>) attributes {dimension_semantics = [#tpu.dimension_semantics<core_parallel>, #tpu.dimension_semantics<subcore_parallel>], iteration_bounds = array<i64: 2, 16>, scalar_prefetch = 0 : i64, scratch_operands = 8 : i64, tpu.core_type = #tpu.core_type<sc_vector_subcore>, window_params = [{transform_indices = #map}, {transform_indices = #map1}, {transform_indices = #map}, {transform_indices = #map1}]} {
    %mul3A = arith.constant 2 : i32
    %mul3A_0 = arith.muli %arg1, %mul3A : i32
    %add3A = arith.addi %mul3A_0, %arg0 : i32
    %mul3A_1 = arith.constant 128 : i32
    %mul3A_2 = arith.muli %add3A, %mul3A_1 : i32
    %multiple_of3A = tpu.assume_multiple %mul3A_2, 128 : i32
    "tpu.region"() ({
      %run_scoped3A = tpu.sem_alloc : memref<!tpu.dma_semaphore, #tpu.memory_space<semaphore_mem>>
      tpu.enqueue_dma source(%arg4 : memref<8x16xf32, #tpu.memory_space<hbm>>) target(%arg6 : memref<8x16xf32, #tpu.memory_space<vmem>>) target_semaphore(%run_scoped3A : memref<!tpu.dma_semaphore, #tpu.memory_space<semaphore_mem>>)
      tpu.wait_dma2 semaphore(%run_scoped3A : memref<!tpu.dma_semaphore, #tpu.memory_space<semaphore_mem>>) src(%arg4 : memref<8x16xf32, #tpu.memory_space<hbm>>) dst(%arg6 : memref<8x16xf32, #tpu.memory_space<vmem>>)
      tpu.yield
    }) : () -> ()
    "tpu.region"() ({
      %run_scoped3A = tpu.sem_alloc : memref<!tpu.dma_semaphore, #tpu.memory_space<semaphore_mem>>
      %dma_start3A_186 = arith.constant 0 : i32
      %dma_start3A_187 = tpu.memref_slice %arg2[%dma_start3A_186, %multiple_of3A] : memref<400x4096xi32, #tpu.memory_space<hbm>> -> memref<400x128xi32, #tpu.memory_space<hbm>>
      %dma_start3A_188 = arith.constant 0 : i32
      %dma_start3A_189 = tpu.memref_slice %arg2[%dma_start3A_188, %multiple_of3A] : memref<400x4096xi32, #tpu.memory_space<hbm>> -> memref<400x128xi32, #tpu.memory_space<hbm>>
      tpu.enqueue_dma source(%dma_start3A_189 : memref<400x128xi32, #tpu.memory_space<hbm>>) target(%arg7 : memref<400x128xi32, #tpu.memory_space<vmem>>) target_semaphore(%run_scoped3A : memref<!tpu.dma_semaphore, #tpu.memory_space<semaphore_mem>>)
      %dma_wait3A_190 = arith.constant 0 : i32
      %dma_wait3A_191 = tpu.memref_slice %arg2[%dma_wait3A_190, %multiple_of3A] : memref<400x4096xi32, #tpu.memory_space<hbm>> -> memref<400x128xi32, #tpu.memory_space<hbm>>
      %dma_wait3A_192 = arith.constant 0 : i32
      %dma_wait3A_193 = tpu.memref_slice %arg2[%dma_wait3A_192, %multiple_of3A] : memref<400x4096xi32, #tpu.memory_space<hbm>> -> memref<400x128xi32, #tpu.memory_space<hbm>>
      tpu.wait_dma2 semaphore(%run_scoped3A : memref<!tpu.dma_semaphore, #tpu.memory_space<semaphore_mem>>) src(%dma_wait3A_193 : memref<400x128xi32, #tpu.memory_space<hbm>>) dst(%arg7 : memref<400x128xi32, #tpu.memory_space<vmem>>)
      tpu.yield
    }) : () -> ()
    %iota3A = tpu.iota {dimensions = array<i32: 0>} : vector<16xi32>
    %dma_start3A = arith.constant 0 : i32
    %dma_start3A_3 = arith.constant 0 : i32
    %dma_start3A_4 = arith.constant 0 : i32
    %dma_start3A_5 = arith.constant 0 : i32
    %dma_start3A_6 = arith.constant 0 : i32
    %dma_start3A_7 = arith.constant 0 : i32
    %dma_start3A_8 = tpu.memref_slice %arg8[%dma_start3A_4, %dma_start3A_5, %dma_start3A_6, %dma_start3A_7] : memref<2x8x128x32xf32, #tpu.memory_space<vmem>> -> memref<1x1x128x32xf32, #tpu.memory_space<vmem>>
    %dma_start3A_9 = tpu.memref_squeeze %dma_start3A_8 : memref<1x1x128x32xf32, #tpu.memory_space<vmem>> -> memref<128x32xf32, #tpu.memory_space<vmem>>
    %dma_start3A_10 = arith.constant 0 : i32
    %dma_start3A_11 = tpu.memref_slice %arg7[%dma_start3A_3, %dma_start3A_10] : memref<400x128xi32, #tpu.memory_space<vmem>> -> memref<1x128xi32, #tpu.memory_space<vmem>>
    %dma_start3A_12 = tpu.memref_squeeze %dma_start3A_11 : memref<1x128xi32, #tpu.memory_space<vmem>> -> memref<128xi32, #tpu.memory_space<vmem>>
    %dma_start3A_13 = arith.constant 0 : i32
    %dma_start3A_14 = arith.constant 0 : i32
    %dma_start3A_15 = tpu.memref_slice %arg3[%dma_start3A, %dma_start3A_13, %dma_start3A_14] : memref<8x100000x32xf32, #tpu.memory_space<hbm>> -> memref<1x100000x32xf32, #tpu.memory_space<hbm>>
    %dma_start3A_16 = tpu.memref_squeeze %dma_start3A_15 : memref<1x100000x32xf32, #tpu.memory_space<hbm>> -> memref<100000x32xf32, #tpu.memory_space<hbm>>
    %dma_start3A_17 = arith.constant 0 : i32
    %dma_start3A_18 = arith.constant 0 : i32
    %dma_start3A_19 = tpu.memref_slice %dma_start3A_16[%dma_start3A_17, %dma_start3A_18] : memref<100000x32xf32, #tpu.memory_space<hbm>> -> memref<100000x32xf32, #tpu.memory_space<hbm>>
    tpu.enqueue_indirect_dma source(%dma_start3A_19 : memref<100000x32xf32, #tpu.memory_space<hbm>>) target(%dma_start3A_9 : memref<128x32xf32, #tpu.memory_space<vmem>>) offsets(%dma_start3A_12 : memref<128xi32, #tpu.memory_space<vmem>>) semaphore(%arg10 : memref<!tpu.dma_semaphore, #tpu.memory_space<semaphore_mem>>)
    %dma_start3A_20 = arith.constant 1 : i32
    %dma_start3A_21 = arith.constant 50 : i32
    %dma_start3A_22 = arith.constant 0 : i32
    %dma_start3A_23 = arith.constant 1 : i32
    %dma_start3A_24 = arith.constant 0 : i32
    %dma_start3A_25 = arith.constant 0 : i32
    %dma_start3A_26 = tpu.memref_slice %arg8[%dma_start3A_22, %dma_start3A_23, %dma_start3A_24, %dma_start3A_25] : memref<2x8x128x32xf32, #tpu.memory_space<vmem>> -> memref<1x1x128x32xf32, #tpu.memory_space<vmem>>
    %dma_start3A_27 = tpu.memref_squeeze %dma_start3A_26 : memref<1x1x128x32xf32, #tpu.memory_space<vmem>> -> memref<128x32xf32, #tpu.memory_space<vmem>>
    %dma_start3A_28 = arith.constant 0 : i32
    %dma_start3A_29 = tpu.memref_slice %arg7[%dma_start3A_21, %dma_start3A_28] : memref<400x128xi32, #tpu.memory_space<vmem>> -> memref<1x128xi32, #tpu.memory_space<vmem>>
    %dma_start3A_30 = tpu.memref_squeeze %dma_start3A_29 : memref<1x128xi32, #tpu.memory_space<vmem>> -> memref<128xi32, #tpu.memory_space<vmem>>
    %dma_start3A_31 = arith.constant 0 : i32
    %dma_start3A_32 = arith.constant 0 : i32
    %dma_start3A_33 = tpu.memref_slice %arg3[%dma_start3A_20, %dma_start3A_31, %dma_start3A_32] : memref<8x100000x32xf32, #tpu.memory_space<hbm>> -> memref<1x100000x32xf32, #tpu.memory_space<hbm>>
    %dma_start3A_34 = tpu.memref_squeeze %dma_start3A_33 : memref<1x100000x32xf32, #tpu.memory_space<hbm>> -> memref<100000x32xf32, #tpu.memory_space<hbm>>
    %dma_start3A_35 = arith.constant 0 : i32
    %dma_start3A_36 = arith.constant 0 : i32
    %dma_start3A_37 = tpu.memref_slice %dma_start3A_34[%dma_start3A_35, %dma_start3A_36] : memref<100000x32xf32, #tpu.memory_space<hbm>> -> memref<100000x32xf32, #tpu.memory_space<hbm>>
    tpu.enqueue_indirect_dma source(%dma_start3A_37 : memref<100000x32xf32, #tpu.memory_space<hbm>>) target(%dma_start3A_27 : memref<128x32xf32, #tpu.memory_space<vmem>>) offsets(%dma_start3A_30 : memref<128xi32, #tpu.memory_space<vmem>>) semaphore(%arg10 : memref<!tpu.dma_semaphore, #tpu.memory_space<semaphore_mem>>)
    %dma_start3A_38 = arith.constant 2 : i32
    %dma_start3A_39 = arith.constant 100 : i32
    %dma_start3A_40 = arith.constant 0 : i32
    %dma_start3A_41 = arith.constant 2 : i32
    %dma_start3A_42 = arith.constant 0 : i32
    %dma_start3A_43 = arith.constant 0 : i32
    %dma_start3A_44 = tpu.memref_slice %arg8[%dma_start3A_40, %dma_start3A_41, %dma_start3A_42, %dma_start3A_43] : memref<2x8x128x32xf32, #tpu.memory_space<vmem>> -> memref<1x1x128x32xf32, #tpu.memory_space<vmem>>
    %dma_start3A_45 = tpu.memref_squeeze %dma_start3A_44 : memref<1x1x128x32xf32, #tpu.memory_space<vmem>> -> memref<128x32xf32, #tpu.memory_space<vmem>>
    %dma_start3A_46 = arith.constant 0 : i32
    %dma_start3A_47 = tpu.memref_slice %arg7[%dma_start3A_39, %dma_start3A_46] : memref<400x128xi32, #tpu.memory_space<vmem>> -> memref<1x128xi32, #tpu.memory_space<vmem>>
    %dma_start3A_48 = tpu.memref_squeeze %dma_start3A_47 : memref<1x128xi32, #tpu.memory_space<vmem>> -> memref<128xi32, #tpu.memory_space<vmem>>
    %dma_start3A_49 = arith.constant 0 : i32
    %dma_start3A_50 = arith.constant 0 : i32
    %dma_start3A_51 = tpu.memref_slice %arg3[%dma_start3A_38, %dma_start3A_49, %dma_start3A_50] : memref<8x100000x32xf32, #tpu.memory_space<hbm>> -> memref<1x100000x32xf32, #tpu.memory_space<hbm>>
    %dma_start3A_52 = tpu.memref_squeeze %dma_start3A_51 : memref<1x100000x32xf32, #tpu.memory_space<hbm>> -> memref<100000x32xf32, #tpu.memory_space<hbm>>
    %dma_start3A_53 = arith.constant 0 : i32
    %dma_start3A_54 = arith.constant 0 : i32
    %dma_start3A_55 = tpu.memref_slice %dma_start3A_52[%dma_start3A_53, %dma_start3A_54] : memref<100000x32xf32, #tpu.memory_space<hbm>> -> memref<100000x32xf32, #tpu.memory_space<hbm>>
    tpu.enqueue_indirect_dma source(%dma_start3A_55 : memref<100000x32xf32, #tpu.memory_space<hbm>>) target(%dma_start3A_45 : memref<128x32xf32, #tpu.memory_space<vmem>>) offsets(%dma_start3A_48 : memref<128xi32, #tpu.memory_space<vmem>>) semaphore(%arg10 : memref<!tpu.dma_semaphore, #tpu.memory_space<semaphore_mem>>)
    %dma_start3A_56 = arith.constant 3 : i32
    %dma_start3A_57 = arith.constant 150 : i32
    %dma_start3A_58 = arith.constant 0 : i32
    %dma_start3A_59 = arith.constant 3 : i32
    %dma_start3A_60 = arith.constant 0 : i32
    %dma_start3A_61 = arith.constant 0 : i32
    %dma_start3A_62 = tpu.memref_slice %arg8[%dma_start3A_58, %dma_start3A_59, %dma_start3A_60, %dma_start3A_61] : memref<2x8x128x32xf32, #tpu.memory_space<vmem>> -> memref<1x1x128x32xf32, #tpu.memory_space<vmem>>
    %dma_start3A_63 = tpu.memref_squeeze %dma_start3A_62 : memref<1x1x128x32xf32, #tpu.memory_space<vmem>> -> memref<128x32xf32, #tpu.memory_space<vmem>>
    %dma_start3A_64 = arith.constant 0 : i32
    %dma_start3A_65 = tpu.memref_slice %arg7[%dma_start3A_57, %dma_start3A_64] : memref<400x128xi32, #tpu.memory_space<vmem>> -> memref<1x128xi32, #tpu.memory_space<vmem>>
    %dma_start3A_66 = tpu.memref_squeeze %dma_start3A_65 : memref<1x128xi32, #tpu.memory_space<vmem>> -> memref<128xi32, #tpu.memory_space<vmem>>
    %dma_start3A_67 = arith.constant 0 : i32
    %dma_start3A_68 = arith.constant 0 : i32
    %dma_start3A_69 = tpu.memref_slice %arg3[%dma_start3A_56, %dma_start3A_67, %dma_start3A_68] : memref<8x100000x32xf32, #tpu.memory_space<hbm>> -> memref<1x100000x32xf32, #tpu.memory_space<hbm>>
    %dma_start3A_70 = tpu.memref_squeeze %dma_start3A_69 : memref<1x100000x32xf32, #tpu.memory_space<hbm>> -> memref<100000x32xf32, #tpu.memory_space<hbm>>
    %dma_start3A_71 = arith.constant 0 : i32
    %dma_start3A_72 = arith.constant 0 : i32
    %dma_start3A_73 = tpu.memref_slice %dma_start3A_70[%dma_start3A_71, %dma_start3A_72] : memref<100000x32xf32, #tpu.memory_space<hbm>> -> memref<100000x32xf32, #tpu.memory_space<hbm>>
    tpu.enqueue_indirect_dma source(%dma_start3A_73 : memref<100000x32xf32, #tpu.memory_space<hbm>>) target(%dma_start3A_63 : memref<128x32xf32, #tpu.memory_space<vmem>>) offsets(%dma_start3A_66 : memref<128xi32, #tpu.memory_space<vmem>>) semaphore(%arg10 : memref<!tpu.dma_semaphore, #tpu.memory_space<semaphore_mem>>)
    %dma_start3A_74 = arith.constant 4 : i32
    %dma_start3A_75 = arith.constant 200 : i32
    %dma_start3A_76 = arith.constant 0 : i32
    %dma_start3A_77 = arith.constant 4 : i32
    %dma_start3A_78 = arith.constant 0 : i32
    %dma_start3A_79 = arith.constant 0 : i32
    %dma_start3A_80 = tpu.memref_slice %arg8[%dma_start3A_76, %dma_start3A_77, %dma_start3A_78, %dma_start3A_79] : memref<2x8x128x32xf32, #tpu.memory_space<vmem>> -> memref<1x1x128x32xf32, #tpu.memory_space<vmem>>
    %dma_start3A_81 = tpu.memref_squeeze %dma_start3A_80 : memref<1x1x128x32xf32, #tpu.memory_space<vmem>> -> memref<128x32xf32, #tpu.memory_space<vmem>>
    %dma_start3A_82 = arith.constant 0 : i32
    %dma_start3A_83 = tpu.memref_slice %arg7[%dma_start3A_75, %dma_start3A_82] : memref<400x128xi32, #tpu.memory_space<vmem>> -> memref<1x128xi32, #tpu.memory_space<vmem>>
    %dma_start3A_84 = tpu.memref_squeeze %dma_start3A_83 : memref<1x128xi32, #tpu.memory_space<vmem>> -> memref<128xi32, #tpu.memory_space<vmem>>
    %dma_start3A_85 = arith.constant 0 : i32
    %dma_start3A_86 = arith.constant 0 : i32
    %dma_start3A_87 = tpu.memref_slice %arg3[%dma_start3A_74, %dma_start3A_85, %dma_start3A_86] : memref<8x100000x32xf32, #tpu.memory_space<hbm>> -> memref<1x100000x32xf32, #tpu.memory_space<hbm>>
    %dma_start3A_88 = tpu.memref_squeeze %dma_start3A_87 : memref<1x100000x32xf32, #tpu.memory_space<hbm>> -> memref<100000x32xf32, #tpu.memory_space<hbm>>
    %dma_start3A_89 = arith.constant 0 : i32
    %dma_start3A_90 = arith.constant 0 : i32
    %dma_start3A_91 = tpu.memref_slice %dma_start3A_88[%dma_start3A_89, %dma_start3A_90] : memref<100000x32xf32, #tpu.memory_space<hbm>> -> memref<100000x32xf32, #tpu.memory_space<hbm>>
    tpu.enqueue_indirect_dma source(%dma_start3A_91 : memref<100000x32xf32, #tpu.memory_space<hbm>>) target(%dma_start3A_81 : memref<128x32xf32, #tpu.memory_space<vmem>>) offsets(%dma_start3A_84 : memref<128xi32, #tpu.memory_space<vmem>>) semaphore(%arg10 : memref<!tpu.dma_semaphore, #tpu.memory_space<semaphore_mem>>)
    %dma_start3A_92 = arith.constant 5 : i32
    %dma_start3A_93 = arith.constant 250 : i32
    %dma_start3A_94 = arith.constant 0 : i32
    %dma_start3A_95 = arith.constant 5 : i32
    %dma_start3A_96 = arith.constant 0 : i32
    %dma_start3A_97 = arith.constant 0 : i32
    %dma_start3A_98 = tpu.memref_slice %arg8[%dma_start3A_94, %dma_start3A_95, %dma_start3A_96, %dma_start3A_97] : memref<2x8x128x32xf32, #tpu.memory_space<vmem>> -> memref<1x1x128x32xf32, #tpu.memory_space<vmem>>
    %dma_start3A_99 = tpu.memref_squeeze %dma_start3A_98 : memref<1x1x128x32xf32, #tpu.memory_space<vmem>> -> memref<128x32xf32, #tpu.memory_space<vmem>>
    %dma_start3A_100 = arith.constant 0 : i32
    %dma_start3A_101 = tpu.memref_slice %arg7[%dma_start3A_93, %dma_start3A_100] : memref<400x128xi32, #tpu.memory_space<vmem>> -> memref<1x128xi32, #tpu.memory_space<vmem>>
    %dma_start3A_102 = tpu.memref_squeeze %dma_start3A_101 : memref<1x128xi32, #tpu.memory_space<vmem>> -> memref<128xi32, #tpu.memory_space<vmem>>
    %dma_start3A_103 = arith.constant 0 : i32
    %dma_start3A_104 = arith.constant 0 : i32
    %dma_start3A_105 = tpu.memref_slice %arg3[%dma_start3A_92, %dma_start3A_103, %dma_start3A_104] : memref<8x100000x32xf32, #tpu.memory_space<hbm>> -> memref<1x100000x32xf32, #tpu.memory_space<hbm>>
    %dma_start3A_106 = tpu.memref_squeeze %dma_start3A_105 : memref<1x100000x32xf32, #tpu.memory_space<hbm>> -> memref<100000x32xf32, #tpu.memory_space<hbm>>
    %dma_start3A_107 = arith.constant 0 : i32
    %dma_start3A_108 = arith.constant 0 : i32
    %dma_start3A_109 = tpu.memref_slice %dma_start3A_106[%dma_start3A_107, %dma_start3A_108] : memref<100000x32xf32, #tpu.memory_space<hbm>> -> memref<100000x32xf32, #tpu.memory_space<hbm>>
    tpu.enqueue_indirect_dma source(%dma_start3A_109 : memref<100000x32xf32, #tpu.memory_space<hbm>>) target(%dma_start3A_99 : memref<128x32xf32, #tpu.memory_space<vmem>>) offsets(%dma_start3A_102 : memref<128xi32, #tpu.memory_space<vmem>>) semaphore(%arg10 : memref<!tpu.dma_semaphore, #tpu.memory_space<semaphore_mem>>)
    %dma_start3A_110 = arith.constant 6 : i32
    %dma_start3A_111 = arith.constant 300 : i32
    %dma_start3A_112 = arith.constant 0 : i32
    %dma_start3A_113 = arith.constant 6 : i32
    %dma_start3A_114 = arith.constant 0 : i32
    %dma_start3A_115 = arith.constant 0 : i32
    %dma_start3A_116 = tpu.memref_slice %arg8[%dma_start3A_112, %dma_start3A_113, %dma_start3A_114, %dma_start3A_115] : memref<2x8x128x32xf32, #tpu.memory_space<vmem>> -> memref<1x1x128x32xf32, #tpu.memory_space<vmem>>
    %dma_start3A_117 = tpu.memref_squeeze %dma_start3A_116 : memref<1x1x128x32xf32, #tpu.memory_space<vmem>> -> memref<128x32xf32, #tpu.memory_space<vmem>>
    %dma_start3A_118 = arith.constant 0 : i32
    %dma_start3A_119 = tpu.memref_slice %arg7[%dma_start3A_111, %dma_start3A_118] : memref<400x128xi32, #tpu.memory_space<vmem>> -> memref<1x128xi32, #tpu.memory_space<vmem>>
    %dma_start3A_120 = tpu.memref_squeeze %dma_start3A_119 : memref<1x128xi32, #tpu.memory_space<vmem>> -> memref<128xi32, #tpu.memory_space<vmem>>
    %dma_start3A_121 = arith.constant 0 : i32
    %dma_start3A_122 = arith.constant 0 : i32
    %dma_start3A_123 = tpu.memref_slice %arg3[%dma_start3A_110, %dma_start3A_121, %dma_start3A_122] : memref<8x100000x32xf32, #tpu.memory_space<hbm>> -> memref<1x100000x32xf32, #tpu.memory_space<hbm>>
    %dma_start3A_124 = tpu.memref_squeeze %dma_start3A_123 : memref<1x100000x32xf32, #tpu.memory_space<hbm>> -> memref<100000x32xf32, #tpu.memory_space<hbm>>
    %dma_start3A_125 = arith.constant 0 : i32
    %dma_start3A_126 = arith.constant 0 : i32
    %dma_start3A_127 = tpu.memref_slice %dma_start3A_124[%dma_start3A_125, %dma_start3A_126] : memref<100000x32xf32, #tpu.memory_space<hbm>> -> memref<100000x32xf32, #tpu.memory_space<hbm>>
    tpu.enqueue_indirect_dma source(%dma_start3A_127 : memref<100000x32xf32, #tpu.memory_space<hbm>>) target(%dma_start3A_117 : memref<128x32xf32, #tpu.memory_space<vmem>>) offsets(%dma_start3A_120 : memref<128xi32, #tpu.memory_space<vmem>>) semaphore(%arg10 : memref<!tpu.dma_semaphore, #tpu.memory_space<semaphore_mem>>)
    %dma_start3A_128 = arith.constant 7 : i32
    %dma_start3A_129 = arith.constant 350 : i32
    %dma_start3A_130 = arith.constant 0 : i32
    %dma_start3A_131 = arith.constant 7 : i32
    %dma_start3A_132 = arith.constant 0 : i32
    %dma_start3A_133 = arith.constant 0 : i32
    %dma_start3A_134 = tpu.memref_slice %arg8[%dma_start3A_130, %dma_start3A_131, %dma_start3A_132, %dma_start3A_133] : memref<2x8x128x32xf32, #tpu.memory_space<vmem>> -> memref<1x1x128x32xf32, #tpu.memory_space<vmem>>
    %dma_start3A_135 = tpu.memref_squeeze %dma_start3A_134 : memref<1x1x128x32xf32, #tpu.memory_space<vmem>> -> memref<128x32xf32, #tpu.memory_space<vmem>>
    %dma_start3A_136 = arith.constant 0 : i32
    %dma_start3A_137 = tpu.memref_slice %arg7[%dma_start3A_129, %dma_start3A_136] : memref<400x128xi32, #tpu.memory_space<vmem>> -> memref<1x128xi32, #tpu.memory_space<vmem>>
    %dma_start3A_138 = tpu.memref_squeeze %dma_start3A_137 : memref<1x128xi32, #tpu.memory_space<vmem>> -> memref<128xi32, #tpu.memory_space<vmem>>
    %dma_start3A_139 = arith.constant 0 : i32
    %dma_start3A_140 = arith.constant 0 : i32
    %dma_start3A_141 = tpu.memref_slice %arg3[%dma_start3A_128, %dma_start3A_139, %dma_start3A_140] : memref<8x100000x32xf32, #tpu.memory_space<hbm>> -> memref<1x100000x32xf32, #tpu.memory_space<hbm>>
    %dma_start3A_142 = tpu.memref_squeeze %dma_start3A_141 : memref<1x100000x32xf32, #tpu.memory_space<hbm>> -> memref<100000x32xf32, #tpu.memory_space<hbm>>
    %dma_start3A_143 = arith.constant 0 : i32
    %dma_start3A_144 = arith.constant 0 : i32
    %dma_start3A_145 = tpu.memref_slice %dma_start3A_142[%dma_start3A_143, %dma_start3A_144] : memref<100000x32xf32, #tpu.memory_space<hbm>> -> memref<100000x32xf32, #tpu.memory_space<hbm>>
    tpu.enqueue_indirect_dma source(%dma_start3A_145 : memref<100000x32xf32, #tpu.memory_space<hbm>>) target(%dma_start3A_135 : memref<128x32xf32, #tpu.memory_space<vmem>>) offsets(%dma_start3A_138 : memref<128xi32, #tpu.memory_space<vmem>>) semaphore(%arg10 : memref<!tpu.dma_semaphore, #tpu.memory_space<semaphore_mem>>)
    %scan3A = arith.constant 0 : i32
    %scan3A_146 = arith.constant 0 : i32
    %scan3A_147 = arith.constant 25 : i32
    %scan3A_148 = arith.addi %scan3A_146, %scan3A_147 : i32
    %scan3A_149 = arith.constant 1 : i32
    scf.for %scan3A_186 = %scan3A_146 to %scan3A_148 step %scan3A_149  : i32 {
      %mul3A_187 = arith.constant 2 : i32
      %mul3A_188 = arith.muli %mul3A_187, %scan3A_186 : i32
      %add3A_189 = arith.constant 1 : i32
      %add3A_190 = arith.addi %mul3A_188, %add3A_189 : i32
      %add3A_191 = arith.constant 0 : i32
      %add3A_192 = arith.addi %add3A_191, %add3A_190 : i32
      %dma_start3A_193 = arith.constant 0 : i32
      %dma_start3A_194 = arith.constant 1 : i32
      %dma_start3A_195 = arith.constant 0 : i32
      %dma_start3A_196 = arith.constant 0 : i32
      %dma_start3A_197 = arith.constant 0 : i32
      %dma_start3A_198 = tpu.memref_slice %arg8[%dma_start3A_194, %dma_start3A_195, %dma_start3A_196, %dma_start3A_197] : memref<2x8x128x32xf32, #tpu.memory_space<vmem>> -> memref<1x1x128x32xf32, #tpu.memory_space<vmem>>
      %dma_start3A_199 = tpu.memref_squeeze %dma_start3A_198 : memref<1x1x128x32xf32, #tpu.memory_space<vmem>> -> memref<128x32xf32, #tpu.memory_space<vmem>>
      %dma_start3A_200 = arith.constant 0 : i32
      %dma_start3A_201 = tpu.memref_slice %arg7[%add3A_192, %dma_start3A_200] : memref<400x128xi32, #tpu.memory_space<vmem>> -> memref<1x128xi32, #tpu.memory_space<vmem>>
      %dma_start3A_202 = tpu.memref_squeeze %dma_start3A_201 : memref<1x128xi32, #tpu.memory_space<vmem>> -> memref<128xi32, #tpu.memory_space<vmem>>
      %dma_start3A_203 = arith.constant 0 : i32
      %dma_start3A_204 = arith.constant 0 : i32
      %dma_start3A_205 = tpu.memref_slice %arg3[%dma_start3A_193, %dma_start3A_203, %dma_start3A_204] : memref<8x100000x32xf32, #tpu.memory_space<hbm>> -> memref<1x100000x32xf32, #tpu.memory_space<hbm>>
      %dma_start3A_206 = tpu.memref_squeeze %dma_start3A_205 : memref<1x100000x32xf32, #tpu.memory_space<hbm>> -> memref<100000x32xf32, #tpu.memory_space<hbm>>
      %dma_start3A_207 = arith.constant 0 : i32
      %dma_start3A_208 = arith.constant 0 : i32
      %dma_start3A_209 = tpu.memref_slice %dma_start3A_206[%dma_start3A_207, %dma_start3A_208] : memref<100000x32xf32, #tpu.memory_space<hbm>> -> memref<100000x32xf32, #tpu.memory_space<hbm>>
      tpu.enqueue_indirect_dma source(%dma_start3A_209 : memref<100000x32xf32, #tpu.memory_space<hbm>>) target(%dma_start3A_199 : memref<128x32xf32, #tpu.memory_space<vmem>>) offsets(%dma_start3A_202 : memref<128xi32, #tpu.memory_space<vmem>>) semaphore(%arg11 : memref<!tpu.dma_semaphore, #tpu.memory_space<semaphore_mem>>)
      %add3A_210 = arith.constant 50 : i32
      %add3A_211 = arith.addi %add3A_210, %add3A_190 : i32
      %dma_start3A_212 = arith.constant 1 : i32
      %dma_start3A_213 = arith.constant 1 : i32
      %dma_start3A_214 = arith.constant 1 : i32
      %dma_start3A_215 = arith.constant 0 : i32
      %dma_start3A_216 = arith.constant 0 : i32
      %dma_start3A_217 = tpu.memref_slice %arg8[%dma_start3A_213, %dma_start3A_214, %dma_start3A_215, %dma_start3A_216] : memref<2x8x128x32xf32, #tpu.memory_space<vmem>> -> memref<1x1x128x32xf32, #tpu.memory_space<vmem>>
      %dma_start3A_218 = tpu.memref_squeeze %dma_start3A_217 : memref<1x1x128x32xf32, #tpu.memory_space<vmem>> -> memref<128x32xf32, #tpu.memory_space<vmem>>
      %dma_start3A_219 = arith.constant 0 : i32
      %dma_start3A_220 = tpu.memref_slice %arg7[%add3A_211, %dma_start3A_219] : memref<400x128xi32, #tpu.memory_space<vmem>> -> memref<1x128xi32, #tpu.memory_space<vmem>>
      %dma_start3A_221 = tpu.memref_squeeze %dma_start3A_220 : memref<1x128xi32, #tpu.memory_space<vmem>> -> memref<128xi32, #tpu.memory_space<vmem>>
      %dma_start3A_222 = arith.constant 0 : i32
      %dma_start3A_223 = arith.constant 0 : i32
      %dma_start3A_224 = tpu.memref_slice %arg3[%dma_start3A_212, %dma_start3A_222, %dma_start3A_223] : memref<8x100000x32xf32, #tpu.memory_space<hbm>> -> memref<1x100000x32xf32, #tpu.memory_space<hbm>>
      %dma_start3A_225 = tpu.memref_squeeze %dma_start3A_224 : memref<1x100000x32xf32, #tpu.memory_space<hbm>> -> memref<100000x32xf32, #tpu.memory_space<hbm>>
      %dma_start3A_226 = arith.constant 0 : i32
      %dma_start3A_227 = arith.constant 0 : i32
      %dma_start3A_228 = tpu.memref_slice %dma_start3A_225[%dma_start3A_226, %dma_start3A_227] : memref<100000x32xf32, #tpu.memory_space<hbm>> -> memref<100000x32xf32, #tpu.memory_space<hbm>>
      tpu.enqueue_indirect_dma source(%dma_start3A_228 : memref<100000x32xf32, #tpu.memory_space<hbm>>) target(%dma_start3A_218 : memref<128x32xf32, #tpu.memory_space<vmem>>) offsets(%dma_start3A_221 : memref<128xi32, #tpu.memory_space<vmem>>) semaphore(%arg11 : memref<!tpu.dma_semaphore, #tpu.memory_space<semaphore_mem>>)
      %add3A_229 = arith.constant 100 : i32
      %add3A_230 = arith.addi %add3A_229, %add3A_190 : i32
      %dma_start3A_231 = arith.constant 2 : i32
      %dma_start3A_232 = arith.constant 1 : i32
      %dma_start3A_233 = arith.constant 2 : i32
      %dma_start3A_234 = arith.constant 0 : i32
      %dma_start3A_235 = arith.constant 0 : i32
      %dma_start3A_236 = tpu.memref_slice %arg8[%dma_start3A_232, %dma_start3A_233, %dma_start3A_234, %dma_start3A_235] : memref<2x8x128x32xf32, #tpu.memory_space<vmem>> -> memref<1x1x128x32xf32, #tpu.memory_space<vmem>>
      %dma_start3A_237 = tpu.memref_squeeze %dma_start3A_236 : memref<1x1x128x32xf32, #tpu.memory_space<vmem>> -> memref<128x32xf32, #tpu.memory_space<vmem>>
      %dma_start3A_238 = arith.constant 0 : i32
      %dma_start3A_239 = tpu.memref_slice %arg7[%add3A_230, %dma_start3A_238] : memref<400x128xi32, #tpu.memory_space<vmem>> -> memref<1x128xi32, #tpu.memory_space<vmem>>
      %dma_start3A_240 = tpu.memref_squeeze %dma_start3A_239 : memref<1x128xi32, #tpu.memory_space<vmem>> -> memref<128xi32, #tpu.memory_space<vmem>>
      %dma_start3A_241 = arith.constant 0 : i32
      %dma_start3A_242 = arith.constant 0 : i32
      %dma_start3A_243 = tpu.memref_slice %arg3[%dma_start3A_231, %dma_start3A_241, %dma_start3A_242] : memref<8x100000x32xf32, #tpu.memory_space<hbm>> -> memref<1x100000x32xf32, #tpu.memory_space<hbm>>
      %dma_start3A_244 = tpu.memref_squeeze %dma_start3A_243 : memref<1x100000x32xf32, #tpu.memory_space<hbm>> -> memref<100000x32xf32, #tpu.memory_space<hbm>>
      %dma_start3A_245 = arith.constant 0 : i32
      %dma_start3A_246 = arith.constant 0 : i32
      %dma_start3A_247 = tpu.memref_slice %dma_start3A_244[%dma_start3A_245, %dma_start3A_246] : memref<100000x32xf32, #tpu.memory_space<hbm>> -> memref<100000x32xf32, #tpu.memory_space<hbm>>
      tpu.enqueue_indirect_dma source(%dma_start3A_247 : memref<100000x32xf32, #tpu.memory_space<hbm>>) target(%dma_start3A_237 : memref<128x32xf32, #tpu.memory_space<vmem>>) offsets(%dma_start3A_240 : memref<128xi32, #tpu.memory_space<vmem>>) semaphore(%arg11 : memref<!tpu.dma_semaphore, #tpu.memory_space<semaphore_mem>>)
      %add3A_248 = arith.constant 150 : i32
      %add3A_249 = arith.addi %add3A_248, %add3A_190 : i32
      %dma_start3A_250 = arith.constant 3 : i32
      %dma_start3A_251 = arith.constant 1 : i32
      %dma_start3A_252 = arith.constant 3 : i32
      %dma_start3A_253 = arith.constant 0 : i32
      %dma_start3A_254 = arith.constant 0 : i32
      %dma_start3A_255 = tpu.memref_slice %arg8[%dma_start3A_251, %dma_start3A_252, %dma_start3A_253, %dma_start3A_254] : memref<2x8x128x32xf32, #tpu.memory_space<vmem>> -> memref<1x1x128x32xf32, #tpu.memory_space<vmem>>
      %dma_start3A_256 = tpu.memref_squeeze %dma_start3A_255 : memref<1x1x128x32xf32, #tpu.memory_space<vmem>> -> memref<128x32xf32, #tpu.memory_space<vmem>>
      %dma_start3A_257 = arith.constant 0 : i32
      %dma_start3A_258 = tpu.memref_slice %arg7[%add3A_249, %dma_start3A_257] : memref<400x128xi32, #tpu.memory_space<vmem>> -> memref<1x128xi32, #tpu.memory_space<vmem>>
      %dma_start3A_259 = tpu.memref_squeeze %dma_start3A_258 : memref<1x128xi32, #tpu.memory_space<vmem>> -> memref<128xi32, #tpu.memory_space<vmem>>
      %dma_start3A_260 = arith.constant 0 : i32
      %dma_start3A_261 = arith.constant 0 : i32
      %dma_start3A_262 = tpu.memref_slice %arg3[%dma_start3A_250, %dma_start3A_260, %dma_start3A_261] : memref<8x100000x32xf32, #tpu.memory_space<hbm>> -> memref<1x100000x32xf32, #tpu.memory_space<hbm>>
      %dma_start3A_263 = tpu.memref_squeeze %dma_start3A_262 : memref<1x100000x32xf32, #tpu.memory_space<hbm>> -> memref<100000x32xf32, #tpu.memory_space<hbm>>
      %dma_start3A_264 = arith.constant 0 : i32
      %dma_start3A_265 = arith.constant 0 : i32
      %dma_start3A_266 = tpu.memref_slice %dma_start3A_263[%dma_start3A_264, %dma_start3A_265] : memref<100000x32xf32, #tpu.memory_space<hbm>> -> memref<100000x32xf32, #tpu.memory_space<hbm>>
      tpu.enqueue_indirect_dma source(%dma_start3A_266 : memref<100000x32xf32, #tpu.memory_space<hbm>>) target(%dma_start3A_256 : memref<128x32xf32, #tpu.memory_space<vmem>>) offsets(%dma_start3A_259 : memref<128xi32, #tpu.memory_space<vmem>>) semaphore(%arg11 : memref<!tpu.dma_semaphore, #tpu.memory_space<semaphore_mem>>)
      %add3A_267 = arith.constant 200 : i32
      %add3A_268 = arith.addi %add3A_267, %add3A_190 : i32
      %dma_start3A_269 = arith.constant 4 : i32
      %dma_start3A_270 = arith.constant 1 : i32
      %dma_start3A_271 = arith.constant 4 : i32
      %dma_start3A_272 = arith.constant 0 : i32
      %dma_start3A_273 = arith.constant 0 : i32
      %dma_start3A_274 = tpu.memref_slice %arg8[%dma_start3A_270, %dma_start3A_271, %dma_start3A_272, %dma_start3A_273] : memref<2x8x128x32xf32, #tpu.memory_space<vmem>> -> memref<1x1x128x32xf32, #tpu.memory_space<vmem>>
      %dma_start3A_275 = tpu.memref_squeeze %dma_start3A_274 : memref<1x1x128x32xf32, #tpu.memory_space<vmem>> -> memref<128x32xf32, #tpu.memory_space<vmem>>
      %dma_start3A_276 = arith.constant 0 : i32
      %dma_start3A_277 = tpu.memref_slice %arg7[%add3A_268, %dma_start3A_276] : memref<400x128xi32, #tpu.memory_space<vmem>> -> memref<1x128xi32, #tpu.memory_space<vmem>>
      %dma_start3A_278 = tpu.memref_squeeze %dma_start3A_277 : memref<1x128xi32, #tpu.memory_space<vmem>> -> memref<128xi32, #tpu.memory_space<vmem>>
      %dma_start3A_279 = arith.constant 0 : i32
      %dma_start3A_280 = arith.constant 0 : i32
      %dma_start3A_281 = tpu.memref_slice %arg3[%dma_start3A_269, %dma_start3A_279, %dma_start3A_280] : memref<8x100000x32xf32, #tpu.memory_space<hbm>> -> memref<1x100000x32xf32, #tpu.memory_space<hbm>>
      %dma_start3A_282 = tpu.memref_squeeze %dma_start3A_281 : memref<1x100000x32xf32, #tpu.memory_space<hbm>> -> memref<100000x32xf32, #tpu.memory_space<hbm>>
      %dma_start3A_283 = arith.constant 0 : i32
      %dma_start3A_284 = arith.constant 0 : i32
      %dma_start3A_285 = tpu.memref_slice %dma_start3A_282[%dma_start3A_283, %dma_start3A_284] : memref<100000x32xf32, #tpu.memory_space<hbm>> -> memref<100000x32xf32, #tpu.memory_space<hbm>>
      tpu.enqueue_indirect_dma source(%dma_start3A_285 : memref<100000x32xf32, #tpu.memory_space<hbm>>) target(%dma_start3A_275 : memref<128x32xf32, #tpu.memory_space<vmem>>) offsets(%dma_start3A_278 : memref<128xi32, #tpu.memory_space<vmem>>) semaphore(%arg11 : memref<!tpu.dma_semaphore, #tpu.memory_space<semaphore_mem>>)
      %add3A_286 = arith.constant 250 : i32
      %add3A_287 = arith.addi %add3A_286, %add3A_190 : i32
      %dma_start3A_288 = arith.constant 5 : i32
      %dma_start3A_289 = arith.constant 1 : i32
      %dma_start3A_290 = arith.constant 5 : i32
      %dma_start3A_291 = arith.constant 0 : i32
      %dma_start3A_292 = arith.constant 0 : i32
      %dma_start3A_293 = tpu.memref_slice %arg8[%dma_start3A_289, %dma_start3A_290, %dma_start3A_291, %dma_start3A_292] : memref<2x8x128x32xf32, #tpu.memory_space<vmem>> -> memref<1x1x128x32xf32, #tpu.memory_space<vmem>>
      %dma_start3A_294 = tpu.memref_squeeze %dma_start3A_293 : memref<1x1x128x32xf32, #tpu.memory_space<vmem>> -> memref<128x32xf32, #tpu.memory_space<vmem>>
      %dma_start3A_295 = arith.constant 0 : i32
      %dma_start3A_296 = tpu.memref_slice %arg7[%add3A_287, %dma_start3A_295] : memref<400x128xi32, #tpu.memory_space<vmem>> -> memref<1x128xi32, #tpu.memory_space<vmem>>
      %dma_start3A_297 = tpu.memref_squeeze %dma_start3A_296 : memref<1x128xi32, #tpu.memory_space<vmem>> -> memref<128xi32, #tpu.memory_space<vmem>>
      %dma_start3A_298 = arith.constant 0 : i32
      %dma_start3A_299 = arith.constant 0 : i32
      %dma_start3A_300 = tpu.memref_slice %arg3[%dma_start3A_288, %dma_start3A_298, %dma_start3A_299] : memref<8x100000x32xf32, #tpu.memory_space<hbm>> -> memref<1x100000x32xf32, #tpu.memory_space<hbm>>
      %dma_start3A_301 = tpu.memref_squeeze %dma_start3A_300 : memref<1x100000x32xf32, #tpu.memory_space<hbm>> -> memref<100000x32xf32, #tpu.memory_space<hbm>>
      %dma_start3A_302 = arith.constant 0 : i32
      %dma_start3A_303 = arith.constant 0 : i32
      %dma_start3A_304 = tpu.memref_slice %dma_start3A_301[%dma_start3A_302, %dma_start3A_303] : memref<100000x32xf32, #tpu.memory_space<hbm>> -> memref<100000x32xf32, #tpu.memory_space<hbm>>
      tpu.enqueue_indirect_dma source(%dma_start3A_304 : memref<100000x32xf32, #tpu.memory_space<hbm>>) target(%dma_start3A_294 : memref<128x32xf32, #tpu.memory_space<vmem>>) offsets(%dma_start3A_297 : memref<128xi32, #tpu.memory_space<vmem>>) semaphore(%arg11 : memref<!tpu.dma_semaphore, #tpu.memory_space<semaphore_mem>>)
      %add3A_305 = arith.constant 300 : i32
      %add3A_306 = arith.addi %add3A_305, %add3A_190 : i32
      %dma_start3A_307 = arith.constant 6 : i32
      %dma_start3A_308 = arith.constant 1 : i32
      %dma_start3A_309 = arith.constant 6 : i32
      %dma_start3A_310 = arith.constant 0 : i32
      %dma_start3A_311 = arith.constant 0 : i32
      %dma_start3A_312 = tpu.memref_slice %arg8[%dma_start3A_308, %dma_start3A_309, %dma_start3A_310, %dma_start3A_311] : memref<2x8x128x32xf32, #tpu.memory_space<vmem>> -> memref<1x1x128x32xf32, #tpu.memory_space<vmem>>
      %dma_start3A_313 = tpu.memref_squeeze %dma_start3A_312 : memref<1x1x128x32xf32, #tpu.memory_space<vmem>> -> memref<128x32xf32, #tpu.memory_space<vmem>>
      %dma_start3A_314 = arith.constant 0 : i32
      %dma_start3A_315 = tpu.memref_slice %arg7[%add3A_306, %dma_start3A_314] : memref<400x128xi32, #tpu.memory_space<vmem>> -> memref<1x128xi32, #tpu.memory_space<vmem>>
      %dma_start3A_316 = tpu.memref_squeeze %dma_start3A_315 : memref<1x128xi32, #tpu.memory_space<vmem>> -> memref<128xi32, #tpu.memory_space<vmem>>
      %dma_start3A_317 = arith.constant 0 : i32
      %dma_start3A_318 = arith.constant 0 : i32
      %dma_start3A_319 = tpu.memref_slice %arg3[%dma_start3A_307, %dma_start3A_317, %dma_start3A_318] : memref<8x100000x32xf32, #tpu.memory_space<hbm>> -> memref<1x100000x32xf32, #tpu.memory_space<hbm>>
      %dma_start3A_320 = tpu.memref_squeeze %dma_start3A_319 : memref<1x100000x32xf32, #tpu.memory_space<hbm>> -> memref<100000x32xf32, #tpu.memory_space<hbm>>
      %dma_start3A_321 = arith.constant 0 : i32
      %dma_start3A_322 = arith.constant 0 : i32
      %dma_start3A_323 = tpu.memref_slice %dma_start3A_320[%dma_start3A_321, %dma_start3A_322] : memref<100000x32xf32, #tpu.memory_space<hbm>> -> memref<100000x32xf32, #tpu.memory_space<hbm>>
      tpu.enqueue_indirect_dma source(%dma_start3A_323 : memref<100000x32xf32, #tpu.memory_space<hbm>>) target(%dma_start3A_313 : memref<128x32xf32, #tpu.memory_space<vmem>>) offsets(%dma_start3A_316 : memref<128xi32, #tpu.memory_space<vmem>>) semaphore(%arg11 : memref<!tpu.dma_semaphore, #tpu.memory_space<semaphore_mem>>)
      %add3A_324 = arith.constant 350 : i32
      %add3A_325 = arith.addi %add3A_324, %add3A_190 : i32
      %dma_start3A_326 = arith.constant 7 : i32
      %dma_start3A_327 = arith.constant 1 : i32
      %dma_start3A_328 = arith.constant 7 : i32
      %dma_start3A_329 = arith.constant 0 : i32
      %dma_start3A_330 = arith.constant 0 : i32
      %dma_start3A_331 = tpu.memref_slice %arg8[%dma_start3A_327, %dma_start3A_328, %dma_start3A_329, %dma_start3A_330] : memref<2x8x128x32xf32, #tpu.memory_space<vmem>> -> memref<1x1x128x32xf32, #tpu.memory_space<vmem>>
      %dma_start3A_332 = tpu.memref_squeeze %dma_start3A_331 : memref<1x1x128x32xf32, #tpu.memory_space<vmem>> -> memref<128x32xf32, #tpu.memory_space<vmem>>
      %dma_start3A_333 = arith.constant 0 : i32
      %dma_start3A_334 = tpu.memref_slice %arg7[%add3A_325, %dma_start3A_333] : memref<400x128xi32, #tpu.memory_space<vmem>> -> memref<1x128xi32, #tpu.memory_space<vmem>>
      %dma_start3A_335 = tpu.memref_squeeze %dma_start3A_334 : memref<1x128xi32, #tpu.memory_space<vmem>> -> memref<128xi32, #tpu.memory_space<vmem>>
      %dma_start3A_336 = arith.constant 0 : i32
      %dma_start3A_337 = arith.constant 0 : i32
      %dma_start3A_338 = tpu.memref_slice %arg3[%dma_start3A_326, %dma_start3A_336, %dma_start3A_337] : memref<8x100000x32xf32, #tpu.memory_space<hbm>> -> memref<1x100000x32xf32, #tpu.memory_space<hbm>>
      %dma_start3A_339 = tpu.memref_squeeze %dma_start3A_338 : memref<1x100000x32xf32, #tpu.memory_space<hbm>> -> memref<100000x32xf32, #tpu.memory_space<hbm>>
      %dma_start3A_340 = arith.constant 0 : i32
      %dma_start3A_341 = arith.constant 0 : i32
      %dma_start3A_342 = tpu.memref_slice %dma_start3A_339[%dma_start3A_340, %dma_start3A_341] : memref<100000x32xf32, #tpu.memory_space<hbm>> -> memref<100000x32xf32, #tpu.memory_space<hbm>>
      tpu.enqueue_indirect_dma source(%dma_start3A_342 : memref<100000x32xf32, #tpu.memory_space<hbm>>) target(%dma_start3A_332 : memref<128x32xf32, #tpu.memory_space<vmem>>) offsets(%dma_start3A_335 : memref<128xi32, #tpu.memory_space<vmem>>) semaphore(%arg11 : memref<!tpu.dma_semaphore, #tpu.memory_space<semaphore_mem>>)
      %add3A_343 = arith.constant 0 : i32
      %add3A_344 = arith.addi %add3A_343, %mul3A_188 : i32
      %dma_wait3A_345 = arith.constant 0 : i32
      %dma_wait3A_346 = arith.constant 0 : i32
      %dma_wait3A_347 = arith.constant 0 : i32
      %dma_wait3A_348 = arith.constant 0 : i32
      %dma_wait3A_349 = arith.constant 0 : i32
      %dma_wait3A_350 = tpu.memref_slice %arg8[%dma_wait3A_346, %dma_wait3A_347, %dma_wait3A_348, %dma_wait3A_349] : memref<2x8x128x32xf32, #tpu.memory_space<vmem>> -> memref<1x1x128x32xf32, #tpu.memory_space<vmem>>
      %dma_wait3A_351 = tpu.memref_squeeze %dma_wait3A_350 : memref<1x1x128x32xf32, #tpu.memory_space<vmem>> -> memref<128x32xf32, #tpu.memory_space<vmem>>
      %dma_wait3A_352 = arith.constant 0 : i32
      %dma_wait3A_353 = tpu.memref_slice %arg7[%add3A_344, %dma_wait3A_352] : memref<400x128xi32, #tpu.memory_space<vmem>> -> memref<1x128xi32, #tpu.memory_space<vmem>>
      %dma_wait3A_354 = tpu.memref_squeeze %dma_wait3A_353 : memref<1x128xi32, #tpu.memory_space<vmem>> -> memref<128xi32, #tpu.memory_space<vmem>>
      %dma_wait3A_355 = arith.constant 0 : i32
      %dma_wait3A_356 = arith.constant 0 : i32
      %dma_wait3A_357 = tpu.memref_slice %arg3[%dma_wait3A_345, %dma_wait3A_355, %dma_wait3A_356] : memref<8x100000x32xf32, #tpu.memory_space<hbm>> -> memref<1x100000x32xf32, #tpu.memory_space<hbm>>
      %dma_wait3A_358 = tpu.memref_squeeze %dma_wait3A_357 : memref<1x100000x32xf32, #tpu.memory_space<hbm>> -> memref<100000x32xf32, #tpu.memory_space<hbm>>
      %dma_wait3A_359 = arith.constant 0 : i32
      %dma_wait3A_360 = arith.constant 0 : i32
      %dma_wait3A_361 = tpu.memref_slice %dma_wait3A_358[%dma_wait3A_359, %dma_wait3A_360] : memref<100000x32xf32, #tpu.memory_space<hbm>> -> memref<100000x32xf32, #tpu.memory_space<hbm>>
      tpu.wait_indirect_dma semaphore(%arg10 : memref<!tpu.dma_semaphore, #tpu.memory_space<semaphore_mem>>) src(%dma_wait3A_361 : memref<100000x32xf32, #tpu.memory_space<hbm>>) dst(%dma_wait3A_351 : memref<128x32xf32, #tpu.memory_space<vmem>>)
      %add3A_362 = arith.constant 50 : i32
      %add3A_363 = arith.addi %add3A_362, %mul3A_188 : i32
      %dma_wait3A_364 = arith.constant 1 : i32
      %dma_wait3A_365 = arith.constant 0 : i32
      %dma_wait3A_366 = arith.constant 1 : i32
      %dma_wait3A_367 = arith.constant 0 : i32
      %dma_wait3A_368 = arith.constant 0 : i32
      %dma_wait3A_369 = tpu.memref_slice %arg8[%dma_wait3A_365, %dma_wait3A_366, %dma_wait3A_367, %dma_wait3A_368] : memref<2x8x128x32xf32, #tpu.memory_space<vmem>> -> memref<1x1x128x32xf32, #tpu.memory_space<vmem>>
      %dma_wait3A_370 = tpu.memref_squeeze %dma_wait3A_369 : memref<1x1x128x32xf32, #tpu.memory_space<vmem>> -> memref<128x32xf32, #tpu.memory_space<vmem>>
      %dma_wait3A_371 = arith.constant 0 : i32
      %dma_wait3A_372 = tpu.memref_slice %arg7[%add3A_363, %dma_wait3A_371] : memref<400x128xi32, #tpu.memory_space<vmem>> -> memref<1x128xi32, #tpu.memory_space<vmem>>
      %dma_wait3A_373 = tpu.memref_squeeze %dma_wait3A_372 : memref<1x128xi32, #tpu.memory_space<vmem>> -> memref<128xi32, #tpu.memory_space<vmem>>
      %dma_wait3A_374 = arith.constant 0 : i32
      %dma_wait3A_375 = arith.constant 0 : i32
      %dma_wait3A_376 = tpu.memref_slice %arg3[%dma_wait3A_364, %dma_wait3A_374, %dma_wait3A_375] : memref<8x100000x32xf32, #tpu.memory_space<hbm>> -> memref<1x100000x32xf32, #tpu.memory_space<hbm>>
      %dma_wait3A_377 = tpu.memref_squeeze %dma_wait3A_376 : memref<1x100000x32xf32, #tpu.memory_space<hbm>> -> memref<100000x32xf32, #tpu.memory_space<hbm>>
      %dma_wait3A_378 = arith.constant 0 : i32
      %dma_wait3A_379 = arith.constant 0 : i32
      %dma_wait3A_380 = tpu.memref_slice %dma_wait3A_377[%dma_wait3A_378, %dma_wait3A_379] : memref<100000x32xf32, #tpu.memory_space<hbm>> -> memref<100000x32xf32, #tpu.memory_space<hbm>>
      tpu.wait_indirect_dma semaphore(%arg10 : memref<!tpu.dma_semaphore, #tpu.memory_space<semaphore_mem>>) src(%dma_wait3A_380 : memref<100000x32xf32, #tpu.memory_space<hbm>>) dst(%dma_wait3A_370 : memref<128x32xf32, #tpu.memory_space<vmem>>)
      %add3A_381 = arith.constant 100 : i32
      %add3A_382 = arith.addi %add3A_381, %mul3A_188 : i32
      %dma_wait3A_383 = arith.constant 2 : i32
      %dma_wait3A_384 = arith.constant 0 : i32
      %dma_wait3A_385 = arith.constant 2 : i32
      %dma_wait3A_386 = arith.constant 0 : i32
      %dma_wait3A_387 = arith.constant 0 : i32
      %dma_wait3A_388 = tpu.memref_slice %arg8[%dma_wait3A_384, %dma_wait3A_385, %dma_wait3A_386, %dma_wait3A_387] : memref<2x8x128x32xf32, #tpu.memory_space<vmem>> -> memref<1x1x128x32xf32, #tpu.memory_space<vmem>>
      %dma_wait3A_389 = tpu.memref_squeeze %dma_wait3A_388 : memref<1x1x128x32xf32, #tpu.memory_space<vmem>> -> memref<128x32xf32, #tpu.memory_space<vmem>>
      %dma_wait3A_390 = arith.constant 0 : i32
      %dma_wait3A_391 = tpu.memref_slice %arg7[%add3A_382, %dma_wait3A_390] : memref<400x128xi32, #tpu.memory_space<vmem>> -> memref<1x128xi32, #tpu.memory_space<vmem>>
      %dma_wait3A_392 = tpu.memref_squeeze %dma_wait3A_391 : memref<1x128xi32, #tpu.memory_space<vmem>> -> memref<128xi32, #tpu.memory_space<vmem>>
      %dma_wait3A_393 = arith.constant 0 : i32
      %dma_wait3A_394 = arith.constant 0 : i32
      %dma_wait3A_395 = tpu.memref_slice %arg3[%dma_wait3A_383, %dma_wait3A_393, %dma_wait3A_394] : memref<8x100000x32xf32, #tpu.memory_space<hbm>> -> memref<1x100000x32xf32, #tpu.memory_space<hbm>>
      %dma_wait3A_396 = tpu.memref_squeeze %dma_wait3A_395 : memref<1x100000x32xf32, #tpu.memory_space<hbm>> -> memref<100000x32xf32, #tpu.memory_space<hbm>>
      %dma_wait3A_397 = arith.constant 0 : i32
      %dma_wait3A_398 = arith.constant 0 : i32
      %dma_wait3A_399 = tpu.memref_slice %dma_wait3A_396[%dma_wait3A_397, %dma_wait3A_398] : memref<100000x32xf32, #tpu.memory_space<hbm>> -> memref<100000x32xf32, #tpu.memory_space<hbm>>
      tpu.wait_indirect_dma semaphore(%arg10 : memref<!tpu.dma_semaphore, #tpu.memory_space<semaphore_mem>>) src(%dma_wait3A_399 : memref<100000x32xf32, #tpu.memory_space<hbm>>) dst(%dma_wait3A_389 : memref<128x32xf32, #tpu.memory_space<vmem>>)
      %add3A_400 = arith.constant 150 : i32
      %add3A_401 = arith.addi %add3A_400, %mul3A_188 : i32
      %dma_wait3A_402 = arith.constant 3 : i32
      %dma_wait3A_403 = arith.constant 0 : i32
      %dma_wait3A_404 = arith.constant 3 : i32
      %dma_wait3A_405 = arith.constant 0 : i32
      %dma_wait3A_406 = arith.constant 0 : i32
      %dma_wait3A_407 = tpu.memref_slice %arg8[%dma_wait3A_403, %dma_wait3A_404, %dma_wait3A_405, %dma_wait3A_406] : memref<2x8x128x32xf32, #tpu.memory_space<vmem>> -> memref<1x1x128x32xf32, #tpu.memory_space<vmem>>
      %dma_wait3A_408 = tpu.memref_squeeze %dma_wait3A_407 : memref<1x1x128x32xf32, #tpu.memory_space<vmem>> -> memref<128x32xf32, #tpu.memory_space<vmem>>
      %dma_wait3A_409 = arith.constant 0 : i32
      %dma_wait3A_410 = tpu.memref_slice %arg7[%add3A_401, %dma_wait3A_409] : memref<400x128xi32, #tpu.memory_space<vmem>> -> memref<1x128xi32, #tpu.memory_space<vmem>>
      %dma_wait3A_411 = tpu.memref_squeeze %dma_wait3A_410 : memref<1x128xi32, #tpu.memory_space<vmem>> -> memref<128xi32, #tpu.memory_space<vmem>>
      %dma_wait3A_412 = arith.constant 0 : i32
      %dma_wait3A_413 = arith.constant 0 : i32
      %dma_wait3A_414 = tpu.memref_slice %arg3[%dma_wait3A_402, %dma_wait3A_412, %dma_wait3A_413] : memref<8x100000x32xf32, #tpu.memory_space<hbm>> -> memref<1x100000x32xf32, #tpu.memory_space<hbm>>
      %dma_wait3A_415 = tpu.memref_squeeze %dma_wait3A_414 : memref<1x100000x32xf32, #tpu.memory_space<hbm>> -> memref<100000x32xf32, #tpu.memory_space<hbm>>
      %dma_wait3A_416 = arith.constant 0 : i32
      %dma_wait3A_417 = arith.constant 0 : i32
      %dma_wait3A_418 = tpu.memref_slice %dma_wait3A_415[%dma_wait3A_416, %dma_wait3A_417] : memref<100000x32xf32, #tpu.memory_space<hbm>> -> memref<100000x32xf32, #tpu.memory_space<hbm>>
      tpu.wait_indirect_dma semaphore(%arg10 : memref<!tpu.dma_semaphore, #tpu.memory_space<semaphore_mem>>) src(%dma_wait3A_418 : memref<100000x32xf32, #tpu.memory_space<hbm>>) dst(%dma_wait3A_408 : memref<128x32xf32, #tpu.memory_space<vmem>>)
      %add3A_419 = arith.constant 200 : i32
      %add3A_420 = arith.addi %add3A_419, %mul3A_188 : i32
      %dma_wait3A_421 = arith.constant 4 : i32
      %dma_wait3A_422 = arith.constant 0 : i32
      %dma_wait3A_423 = arith.constant 4 : i32
      %dma_wait3A_424 = arith.constant 0 : i32
      %dma_wait3A_425 = arith.constant 0 : i32
      %dma_wait3A_426 = tpu.memref_slice %arg8[%dma_wait3A_422, %dma_wait3A_423, %dma_wait3A_424, %dma_wait3A_425] : memref<2x8x128x32xf32, #tpu.memory_space<vmem>> -> memref<1x1x128x32xf32, #tpu.memory_space<vmem>>
      %dma_wait3A_427 = tpu.memref_squeeze %dma_wait3A_426 : memref<1x1x128x32xf32, #tpu.memory_space<vmem>> -> memref<128x32xf32, #tpu.memory_space<vmem>>
      %dma_wait3A_428 = arith.constant 0 : i32
      %dma_wait3A_429 = tpu.memref_slice %arg7[%add3A_420, %dma_wait3A_428] : memref<400x128xi32, #tpu.memory_space<vmem>> -> memref<1x128xi32, #tpu.memory_space<vmem>>
      %dma_wait3A_430 = tpu.memref_squeeze %dma_wait3A_429 : memref<1x128xi32, #tpu.memory_space<vmem>> -> memref<128xi32, #tpu.memory_space<vmem>>
      %dma_wait3A_431 = arith.constant 0 : i32
      %dma_wait3A_432 = arith.constant 0 : i32
      %dma_wait3A_433 = tpu.memref_slice %arg3[%dma_wait3A_421, %dma_wait3A_431, %dma_wait3A_432] : memref<8x100000x32xf32, #tpu.memory_space<hbm>> -> memref<1x100000x32xf32, #tpu.memory_space<hbm>>
      %dma_wait3A_434 = tpu.memref_squeeze %dma_wait3A_433 : memref<1x100000x32xf32, #tpu.memory_space<hbm>> -> memref<100000x32xf32, #tpu.memory_space<hbm>>
      %dma_wait3A_435 = arith.constant 0 : i32
      %dma_wait3A_436 = arith.constant 0 : i32
      %dma_wait3A_437 = tpu.memref_slice %dma_wait3A_434[%dma_wait3A_435, %dma_wait3A_436] : memref<100000x32xf32, #tpu.memory_space<hbm>> -> memref<100000x32xf32, #tpu.memory_space<hbm>>
      tpu.wait_indirect_dma semaphore(%arg10 : memref<!tpu.dma_semaphore, #tpu.memory_space<semaphore_mem>>) src(%dma_wait3A_437 : memref<100000x32xf32, #tpu.memory_space<hbm>>) dst(%dma_wait3A_427 : memref<128x32xf32, #tpu.memory_space<vmem>>)
      %add3A_438 = arith.constant 250 : i32
      %add3A_439 = arith.addi %add3A_438, %mul3A_188 : i32
      %dma_wait3A_440 = arith.constant 5 : i32
      %dma_wait3A_441 = arith.constant 0 : i32
      %dma_wait3A_442 = arith.constant 5 : i32
      %dma_wait3A_443 = arith.constant 0 : i32
      %dma_wait3A_444 = arith.constant 0 : i32
      %dma_wait3A_445 = tpu.memref_slice %arg8[%dma_wait3A_441, %dma_wait3A_442, %dma_wait3A_443, %dma_wait3A_444] : memref<2x8x128x32xf32, #tpu.memory_space<vmem>> -> memref<1x1x128x32xf32, #tpu.memory_space<vmem>>
      %dma_wait3A_446 = tpu.memref_squeeze %dma_wait3A_445 : memref<1x1x128x32xf32, #tpu.memory_space<vmem>> -> memref<128x32xf32, #tpu.memory_space<vmem>>
      %dma_wait3A_447 = arith.constant 0 : i32
      %dma_wait3A_448 = tpu.memref_slice %arg7[%add3A_439, %dma_wait3A_447] : memref<400x128xi32, #tpu.memory_space<vmem>> -> memref<1x128xi32, #tpu.memory_space<vmem>>
      %dma_wait3A_449 = tpu.memref_squeeze %dma_wait3A_448 : memref<1x128xi32, #tpu.memory_space<vmem>> -> memref<128xi32, #tpu.memory_space<vmem>>
      %dma_wait3A_450 = arith.constant 0 : i32
      %dma_wait3A_451 = arith.constant 0 : i32
      %dma_wait3A_452 = tpu.memref_slice %arg3[%dma_wait3A_440, %dma_wait3A_450, %dma_wait3A_451] : memref<8x100000x32xf32, #tpu.memory_space<hbm>> -> memref<1x100000x32xf32, #tpu.memory_space<hbm>>
      %dma_wait3A_453 = tpu.memref_squeeze %dma_wait3A_452 : memref<1x100000x32xf32, #tpu.memory_space<hbm>> -> memref<100000x32xf32, #tpu.memory_space<hbm>>
      %dma_wait3A_454 = arith.constant 0 : i32
      %dma_wait3A_455 = arith.constant 0 : i32
      %dma_wait3A_456 = tpu.memref_slice %dma_wait3A_453[%dma_wait3A_454, %dma_wait3A_455] : memref<100000x32xf32, #tpu.memory_space<hbm>> -> memref<100000x32xf32, #tpu.memory_space<hbm>>
      tpu.wait_indirect_dma semaphore(%arg10 : memref<!tpu.dma_semaphore, #tpu.memory_space<semaphore_mem>>) src(%dma_wait3A_456 : memref<100000x32xf32, #tpu.memory_space<hbm>>) dst(%dma_wait3A_446 : memref<128x32xf32, #tpu.memory_space<vmem>>)
      %add3A_457 = arith.constant 300 : i32
      %add3A_458 = arith.addi %add3A_457, %mul3A_188 : i32
      %dma_wait3A_459 = arith.constant 6 : i32
      %dma_wait3A_460 = arith.constant 0 : i32
      %dma_wait3A_461 = arith.constant 6 : i32
      %dma_wait3A_462 = arith.constant 0 : i32
      %dma_wait3A_463 = arith.constant 0 : i32
      %dma_wait3A_464 = tpu.memref_slice %arg8[%dma_wait3A_460, %dma_wait3A_461, %dma_wait3A_462, %dma_wait3A_463] : memref<2x8x128x32xf32, #tpu.memory_space<vmem>> -> memref<1x1x128x32xf32, #tpu.memory_space<vmem>>
      %dma_wait3A_465 = tpu.memref_squeeze %dma_wait3A_464 : memref<1x1x128x32xf32, #tpu.memory_space<vmem>> -> memref<128x32xf32, #tpu.memory_space<vmem>>
      %dma_wait3A_466 = arith.constant 0 : i32
      %dma_wait3A_467 = tpu.memref_slice %arg7[%add3A_458, %dma_wait3A_466] : memref<400x128xi32, #tpu.memory_space<vmem>> -> memref<1x128xi32, #tpu.memory_space<vmem>>
      %dma_wait3A_468 = tpu.memref_squeeze %dma_wait3A_467 : memref<1x128xi32, #tpu.memory_space<vmem>> -> memref<128xi32, #tpu.memory_space<vmem>>
      %dma_wait3A_469 = arith.constant 0 : i32
      %dma_wait3A_470 = arith.constant 0 : i32
      %dma_wait3A_471 = tpu.memref_slice %arg3[%dma_wait3A_459, %dma_wait3A_469, %dma_wait3A_470] : memref<8x100000x32xf32, #tpu.memory_space<hbm>> -> memref<1x100000x32xf32, #tpu.memory_space<hbm>>
      %dma_wait3A_472 = tpu.memref_squeeze %dma_wait3A_471 : memref<1x100000x32xf32, #tpu.memory_space<hbm>> -> memref<100000x32xf32, #tpu.memory_space<hbm>>
      %dma_wait3A_473 = arith.constant 0 : i32
      %dma_wait3A_474 = arith.constant 0 : i32
      %dma_wait3A_475 = tpu.memref_slice %dma_wait3A_472[%dma_wait3A_473, %dma_wait3A_474] : memref<100000x32xf32, #tpu.memory_space<hbm>> -> memref<100000x32xf32, #tpu.memory_space<hbm>>
      tpu.wait_indirect_dma semaphore(%arg10 : memref<!tpu.dma_semaphore, #tpu.memory_space<semaphore_mem>>) src(%dma_wait3A_475 : memref<100000x32xf32, #tpu.memory_space<hbm>>) dst(%dma_wait3A_465 : memref<128x32xf32, #tpu.memory_space<vmem>>)
      %add3A_476 = arith.constant 350 : i32
      %add3A_477 = arith.addi %add3A_476, %mul3A_188 : i32
      %dma_wait3A_478 = arith.constant 7 : i32
      %dma_wait3A_479 = arith.constant 0 : i32
      %dma_wait3A_480 = arith.constant 7 : i32
      %dma_wait3A_481 = arith.constant 0 : i32
      %dma_wait3A_482 = arith.constant 0 : i32
      %dma_wait3A_483 = tpu.memref_slice %arg8[%dma_wait3A_479, %dma_wait3A_480, %dma_wait3A_481, %dma_wait3A_482] : memref<2x8x128x32xf32, #tpu.memory_space<vmem>> -> memref<1x1x128x32xf32, #tpu.memory_space<vmem>>
      %dma_wait3A_484 = tpu.memref_squeeze %dma_wait3A_483 : memref<1x1x128x32xf32, #tpu.memory_space<vmem>> -> memref<128x32xf32, #tpu.memory_space<vmem>>
      %dma_wait3A_485 = arith.constant 0 : i32
      %dma_wait3A_486 = tpu.memref_slice %arg7[%add3A_477, %dma_wait3A_485] : memref<400x128xi32, #tpu.memory_space<vmem>> -> memref<1x128xi32, #tpu.memory_space<vmem>>
      %dma_wait3A_487 = tpu.memref_squeeze %dma_wait3A_486 : memref<1x128xi32, #tpu.memory_space<vmem>> -> memref<128xi32, #tpu.memory_space<vmem>>
      %dma_wait3A_488 = arith.constant 0 : i32
      %dma_wait3A_489 = arith.constant 0 : i32
      %dma_wait3A_490 = tpu.memref_slice %arg3[%dma_wait3A_478, %dma_wait3A_488, %dma_wait3A_489] : memref<8x100000x32xf32, #tpu.memory_space<hbm>> -> memref<1x100000x32xf32, #tpu.memory_space<hbm>>
      %dma_wait3A_491 = tpu.memref_squeeze %dma_wait3A_490 : memref<1x100000x32xf32, #tpu.memory_space<hbm>> -> memref<100000x32xf32, #tpu.memory_space<hbm>>
      %dma_wait3A_492 = arith.constant 0 : i32
      %dma_wait3A_493 = arith.constant 0 : i32
      %dma_wait3A_494 = tpu.memref_slice %dma_wait3A_491[%dma_wait3A_492, %dma_wait3A_493] : memref<100000x32xf32, #tpu.memory_space<hbm>> -> memref<100000x32xf32, #tpu.memory_space<hbm>>
      tpu.wait_indirect_dma semaphore(%arg10 : memref<!tpu.dma_semaphore, #tpu.memory_space<semaphore_mem>>) src(%dma_wait3A_494 : memref<100000x32xf32, #tpu.memory_space<hbm>>) dst(%dma_wait3A_484 : memref<128x32xf32, #tpu.memory_space<vmem>>)
      %eq3A = arith.constant 0 : i32
      %eq3A_495 = arith.cmpi eq, %scan3A_186, %eq3A : i32
      %not3A = arith.constant true
      %not3A_496 = arith.xori %eq3A_495, %not3A : i1
      %convert_element_type3A = arith.extui %not3A_496 : i1 to i32
      %cond3A = arith.constant 0 : i32
      %cond3A_497 = arith.cmpi ne, %convert_element_type3A, %cond3A : i32
      scf.if %cond3A_497 {
        %dma_wait3A_707 = arith.constant 0 : i32
        %dma_wait3A_708 = arith.constant 0 : i32
        %dma_wait3A_709 = arith.constant 0 : i32
        %dma_wait3A_710 = arith.constant 0 : i32
        %dma_wait3A_711 = tpu.memref_slice %arg9[%dma_wait3A_707, %dma_wait3A_709, %dma_wait3A_710] : memref<2x32x128xf32, #tpu.memory_space<vmem>> -> memref<1x32x128xf32, #tpu.memory_space<vmem>>
        %dma_wait3A_712 = tpu.memref_squeeze %dma_wait3A_711 : memref<1x32x128xf32, #tpu.memory_space<vmem>> -> memref<32x128xf32, #tpu.memory_space<vmem>>
        %dma_wait3A_713 = arith.constant 0 : i32
        %dma_wait3A_714 = arith.constant 0 : i32
        %dma_wait3A_715 = tpu.memref_slice %arg5[%dma_wait3A_708, %dma_wait3A_713, %dma_wait3A_714] : memref<50x32x4096xf32, #tpu.memory_space<hbm>> -> memref<1x32x128xf32, #tpu.memory_space<hbm>>
        %dma_wait3A_716 = tpu.memref_squeeze %dma_wait3A_715 : memref<1x32x128xf32, #tpu.memory_space<hbm>> -> memref<32x128xf32, #tpu.memory_space<hbm>>
        %dma_wait3A_717 = arith.constant 0 : i32
        %dma_wait3A_718 = arith.constant 0 : i32
        %dma_wait3A_719 = tpu.memref_slice %arg5[%dma_wait3A_708, %dma_wait3A_717, %dma_wait3A_718] : memref<50x32x4096xf32, #tpu.memory_space<hbm>> -> memref<1x32x128xf32, #tpu.memory_space<hbm>>
        %dma_wait3A_720 = tpu.memref_squeeze %dma_wait3A_719 : memref<1x32x128xf32, #tpu.memory_space<hbm>> -> memref<32x128xf32, #tpu.memory_space<hbm>>
        %dma_wait3A_721 = arith.constant 0 : i32
        %dma_wait3A_722 = arith.constant 0 : i32
        %dma_wait3A_723 = tpu.memref_slice %arg9[%dma_wait3A_707, %dma_wait3A_721, %dma_wait3A_722] : memref<2x32x128xf32, #tpu.memory_space<vmem>> -> memref<1x32x128xf32, #tpu.memory_space<vmem>>
        %dma_wait3A_724 = tpu.memref_squeeze %dma_wait3A_723 : memref<1x32x128xf32, #tpu.memory_space<vmem>> -> memref<32x128xf32, #tpu.memory_space<vmem>>
        tpu.wait_dma2 semaphore(%arg12 : memref<!tpu.dma_semaphore, #tpu.memory_space<semaphore_mem>>) src(%dma_wait3A_724 : memref<32x128xf32, #tpu.memory_space<vmem>>) dst(%dma_wait3A_720 : memref<32x128xf32, #tpu.memory_space<hbm>>)
      } else {
      }
      %scan3A_498 = arith.constant 0 : i32
      %scan3A_499 = arith.constant 0 : i32
      %scan3A_500 = arith.constant 128 : i32
      %scan3A_501 = arith.addi %scan3A_499, %scan3A_500 : i32
      %scan3A_502 = arith.constant 1 : i32
      scf.for %scan3A_707 = %scan3A_499 to %scan3A_501 step %scan3A_502  : i32 {
        %get3A = arith.constant 0 : i32
        %get3A_708 = arith.constant 0 : i32
        %get3A_709 = arith.index_cast %get3A : i32 to index
        %get3A_710 = arith.index_cast %get3A_708 : i32 to index
        %get3A_711 = arith.index_cast %scan3A_707 : i32 to index
        %get3A_712 = arith.constant 0 : index
        %get3A_713 = tpu.vector_load %arg8[%get3A_709, %get3A_710, %get3A_711, %get3A_712] {strides = array<i32>} : memref<2x8x128x32xf32, #tpu.memory_space<vmem>>, vector<16xf32>,
        %get3A_714 = arith.constant 0 : i32
        %get3A_715 = arith.index_cast %get3A_714 : i32 to index
        %get3A_716 = arith.constant 0 : index
        %get3A_717 = tpu.vector_load %arg6[%get3A_715, %get3A_716] {strides = array<i32>} : memref<8x16xf32, #tpu.memory_space<vmem>>, vector<16xf32>,
        %mul3A_718 = arith.mulf %get3A_713, %get3A_717 : vector<16xf32>
        %get3A_719 = arith.constant 0 : i32
        %get3A_720 = arith.constant 0 : i32
        %get3A_721 = arith.index_cast %get3A_719 : i32 to index
        %get3A_722 = arith.index_cast %get3A_720 : i32 to index
        %get3A_723 = arith.index_cast %scan3A_707 : i32 to index
        %get3A_724 = arith.constant 16 : index
        %get3A_725 = tpu.vector_load %arg8[%get3A_721, %get3A_722, %get3A_723, %get3A_724] {strides = array<i32>} : memref<2x8x128x32xf32, #tpu.memory_space<vmem>>, vector<16xf32>,
        %get3A_726 = arith.constant 0 : i32
        %get3A_727 = arith.index_cast %get3A_726 : i32 to index
        %get3A_728 = arith.constant 0 : index
        %get3A_729 = tpu.vector_load %arg6[%get3A_727, %get3A_728] {strides = array<i32>} : memref<8x16xf32, #tpu.memory_space<vmem>>, vector<16xf32>,
        %mul3A_730 = arith.mulf %get3A_725, %get3A_729 : vector<16xf32>
        %get3A_731 = arith.constant 0 : i32
        %get3A_732 = arith.constant 1 : i32
        %get3A_733 = arith.index_cast %get3A_731 : i32 to index
        %get3A_734 = arith.index_cast %get3A_732 : i32 to index
        %get3A_735 = arith.index_cast %scan3A_707 : i32 to index
        %get3A_736 = arith.constant 0 : index
        %get3A_737 = tpu.vector_load %arg8[%get3A_733, %get3A_734, %get3A_735, %get3A_736] {strides = array<i32>} : memref<2x8x128x32xf32, #tpu.memory_space<vmem>>, vector<16xf32>,
        %get3A_738 = arith.constant 1 : i32
        %get3A_739 = arith.index_cast %get3A_738 : i32 to index
        %get3A_740 = arith.constant 0 : index
        %get3A_741 = tpu.vector_load %arg6[%get3A_739, %get3A_740] {strides = array<i32>} : memref<8x16xf32, #tpu.memory_space<vmem>>, vector<16xf32>,
        %mul3A_742 = arith.mulf %get3A_737, %get3A_741 : vector<16xf32>
        %add3A_743 = arith.addf %mul3A_718, %mul3A_742 : vector<16xf32>
        %get3A_744 = arith.constant 0 : i32
        %get3A_745 = arith.constant 1 : i32
        %get3A_746 = arith.index_cast %get3A_744 : i32 to index
        %get3A_747 = arith.index_cast %get3A_745 : i32 to index
        %get3A_748 = arith.index_cast %scan3A_707 : i32 to index
        %get3A_749 = arith.constant 16 : index
        %get3A_750 = tpu.vector_load %arg8[%get3A_746, %get3A_747, %get3A_748, %get3A_749] {strides = array<i32>} : memref<2x8x128x32xf32, #tpu.memory_space<vmem>>, vector<16xf32>,
        %get3A_751 = arith.constant 1 : i32
        %get3A_752 = arith.index_cast %get3A_751 : i32 to index
        %get3A_753 = arith.constant 0 : index
        %get3A_754 = tpu.vector_load %arg6[%get3A_752, %get3A_753] {strides = array<i32>} : memref<8x16xf32, #tpu.memory_space<vmem>>, vector<16xf32>,
        %mul3A_755 = arith.mulf %get3A_750, %get3A_754 : vector<16xf32>
        %add3A_756 = arith.addf %mul3A_730, %mul3A_755 : vector<16xf32>
        %get3A_757 = arith.constant 0 : i32
        %get3A_758 = arith.constant 2 : i32
        %get3A_759 = arith.index_cast %get3A_757 : i32 to index
        %get3A_760 = arith.index_cast %get3A_758 : i32 to index
        %get3A_761 = arith.index_cast %scan3A_707 : i32 to index
        %get3A_762 = arith.constant 0 : index
        %get3A_763 = tpu.vector_load %arg8[%get3A_759, %get3A_760, %get3A_761, %get3A_762] {strides = array<i32>} : memref<2x8x128x32xf32, #tpu.memory_space<vmem>>, vector<16xf32>,
        %get3A_764 = arith.constant 2 : i32
        %get3A_765 = arith.index_cast %get3A_764 : i32 to index
        %get3A_766 = arith.constant 0 : index
        %get3A_767 = tpu.vector_load %arg6[%get3A_765, %get3A_766] {strides = array<i32>} : memref<8x16xf32, #tpu.memory_space<vmem>>, vector<16xf32>,
        %mul3A_768 = arith.mulf %get3A_763, %get3A_767 : vector<16xf32>
        %add3A_769 = arith.addf %add3A_743, %mul3A_768 : vector<16xf32>
        %get3A_770 = arith.constant 0 : i32
        %get3A_771 = arith.constant 2 : i32
        %get3A_772 = arith.index_cast %get3A_770 : i32 to index
        %get3A_773 = arith.index_cast %get3A_771 : i32 to index
        %get3A_774 = arith.index_cast %scan3A_707 : i32 to index
        %get3A_775 = arith.constant 16 : index
        %get3A_776 = tpu.vector_load %arg8[%get3A_772, %get3A_773, %get3A_774, %get3A_775] {strides = array<i32>} : memref<2x8x128x32xf32, #tpu.memory_space<vmem>>, vector<16xf32>,
        %get3A_777 = arith.constant 2 : i32
        %get3A_778 = arith.index_cast %get3A_777 : i32 to index
        %get3A_779 = arith.constant 0 : index
        %get3A_780 = tpu.vector_load %arg6[%get3A_778, %get3A_779] {strides = array<i32>} : memref<8x16xf32, #tpu.memory_space<vmem>>, vector<16xf32>,
        %mul3A_781 = arith.mulf %get3A_776, %get3A_780 : vector<16xf32>
        %add3A_782 = arith.addf %add3A_756, %mul3A_781 : vector<16xf32>
        %get3A_783 = arith.constant 0 : i32
        %get3A_784 = arith.constant 3 : i32
        %get3A_785 = arith.index_cast %get3A_783 : i32 to index
        %get3A_786 = arith.index_cast %get3A_784 : i32 to index
        %get3A_787 = arith.index_cast %scan3A_707 : i32 to index
        %get3A_788 = arith.constant 0 : index
        %get3A_789 = tpu.vector_load %arg8[%get3A_785, %get3A_786, %get3A_787, %get3A_788] {strides = array<i32>} : memref<2x8x128x32xf32, #tpu.memory_space<vmem>>, vector<16xf32>,
        %get3A_790 = arith.constant 3 : i32
        %get3A_791 = arith.index_cast %get3A_790 : i32 to index
        %get3A_792 = arith.constant 0 : index
        %get3A_793 = tpu.vector_load %arg6[%get3A_791, %get3A_792] {strides = array<i32>} : memref<8x16xf32, #tpu.memory_space<vmem>>, vector<16xf32>,
        %mul3A_794 = arith.mulf %get3A_789, %get3A_793 : vector<16xf32>
        %add3A_795 = arith.addf %add3A_769, %mul3A_794 : vector<16xf32>
        %get3A_796 = arith.constant 0 : i32
        %get3A_797 = arith.constant 3 : i32
        %get3A_798 = arith.index_cast %get3A_796 : i32 to index
        %get3A_799 = arith.index_cast %get3A_797 : i32 to index
        %get3A_800 = arith.index_cast %scan3A_707 : i32 to index
        %get3A_801 = arith.constant 16 : index
        %get3A_802 = tpu.vector_load %arg8[%get3A_798, %get3A_799, %get3A_800, %get3A_801] {strides = array<i32>} : memref<2x8x128x32xf32, #tpu.memory_space<vmem>>, vector<16xf32>,
        %get3A_803 = arith.constant 3 : i32
        %get3A_804 = arith.index_cast %get3A_803 : i32 to index
        %get3A_805 = arith.constant 0 : index
        %get3A_806 = tpu.vector_load %arg6[%get3A_804, %get3A_805] {strides = array<i32>} : memref<8x16xf32, #tpu.memory_space<vmem>>, vector<16xf32>,
        %mul3A_807 = arith.mulf %get3A_802, %get3A_806 : vector<16xf32>
        %add3A_808 = arith.addf %add3A_782, %mul3A_807 : vector<16xf32>
        %get3A_809 = arith.constant 0 : i32
        %get3A_810 = arith.constant 4 : i32
        %get3A_811 = arith.index_cast %get3A_809 : i32 to index
        %get3A_812 = arith.index_cast %get3A_810 : i32 to index
        %get3A_813 = arith.index_cast %scan3A_707 : i32 to index
        %get3A_814 = arith.constant 0 : index
        %get3A_815 = tpu.vector_load %arg8[%get3A_811, %get3A_812, %get3A_813, %get3A_814] {strides = array<i32>} : memref<2x8x128x32xf32, #tpu.memory_space<vmem>>, vector<16xf32>,
        %get3A_816 = arith.constant 4 : i32
        %get3A_817 = arith.index_cast %get3A_816 : i32 to index
        %get3A_818 = arith.constant 0 : index
        %get3A_819 = tpu.vector_load %arg6[%get3A_817, %get3A_818] {strides = array<i32>} : memref<8x16xf32, #tpu.memory_space<vmem>>, vector<16xf32>,
        %mul3A_820 = arith.mulf %get3A_815, %get3A_819 : vector<16xf32>
        %add3A_821 = arith.addf %add3A_795, %mul3A_820 : vector<16xf32>
        %get3A_822 = arith.constant 0 : i32
        %get3A_823 = arith.constant 4 : i32
        %get3A_824 = arith.index_cast %get3A_822 : i32 to index
        %get3A_825 = arith.index_cast %get3A_823 : i32 to index
        %get3A_826 = arith.index_cast %scan3A_707 : i32 to index
        %get3A_827 = arith.constant 16 : index
        %get3A_828 = tpu.vector_load %arg8[%get3A_824, %get3A_825, %get3A_826, %get3A_827] {strides = array<i32>} : memref<2x8x128x32xf32, #tpu.memory_space<vmem>>, vector<16xf32>,
        %get3A_829 = arith.constant 4 : i32
        %get3A_830 = arith.index_cast %get3A_829 : i32 to index
        %get3A_831 = arith.constant 0 : index
        %get3A_832 = tpu.vector_load %arg6[%get3A_830, %get3A_831] {strides = array<i32>} : memref<8x16xf32, #tpu.memory_space<vmem>>, vector<16xf32>,
        %mul3A_833 = arith.mulf %get3A_828, %get3A_832 : vector<16xf32>
        %add3A_834 = arith.addf %add3A_808, %mul3A_833 : vector<16xf32>
        %get3A_835 = arith.constant 0 : i32
        %get3A_836 = arith.constant 5 : i32
        %get3A_837 = arith.index_cast %get3A_835 : i32 to index
        %get3A_838 = arith.index_cast %get3A_836 : i32 to index
        %get3A_839 = arith.index_cast %scan3A_707 : i32 to index
        %get3A_840 = arith.constant 0 : index
        %get3A_841 = tpu.vector_load %arg8[%get3A_837, %get3A_838, %get3A_839, %get3A_840] {strides = array<i32>} : memref<2x8x128x32xf32, #tpu.memory_space<vmem>>, vector<16xf32>,
        %get3A_842 = arith.constant 5 : i32
        %get3A_843 = arith.index_cast %get3A_842 : i32 to index
        %get3A_844 = arith.constant 0 : index
        %get3A_845 = tpu.vector_load %arg6[%get3A_843, %get3A_844] {strides = array<i32>} : memref<8x16xf32, #tpu.memory_space<vmem>>, vector<16xf32>,
        %mul3A_846 = arith.mulf %get3A_841, %get3A_845 : vector<16xf32>
        %add3A_847 = arith.addf %add3A_821, %mul3A_846 : vector<16xf32>
        %get3A_848 = arith.constant 0 : i32
        %get3A_849 = arith.constant 5 : i32
        %get3A_850 = arith.index_cast %get3A_848 : i32 to index
        %get3A_851 = arith.index_cast %get3A_849 : i32 to index
        %get3A_852 = arith.index_cast %scan3A_707 : i32 to index
        %get3A_853 = arith.constant 16 : index
        %get3A_854 = tpu.vector_load %arg8[%get3A_850, %get3A_851, %get3A_852, %get3A_853] {strides = array<i32>} : memref<2x8x128x32xf32, #tpu.memory_space<vmem>>, vector<16xf32>,
        %get3A_855 = arith.constant 5 : i32
        %get3A_856 = arith.index_cast %get3A_855 : i32 to index
        %get3A_857 = arith.constant 0 : index
        %get3A_858 = tpu.vector_load %arg6[%get3A_856, %get3A_857] {strides = array<i32>} : memref<8x16xf32, #tpu.memory_space<vmem>>, vector<16xf32>,
        %mul3A_859 = arith.mulf %get3A_854, %get3A_858 : vector<16xf32>
        %add3A_860 = arith.addf %add3A_834, %mul3A_859 : vector<16xf32>
        %get3A_861 = arith.constant 0 : i32
        %get3A_862 = arith.constant 6 : i32
        %get3A_863 = arith.index_cast %get3A_861 : i32 to index
        %get3A_864 = arith.index_cast %get3A_862 : i32 to index
        %get3A_865 = arith.index_cast %scan3A_707 : i32 to index
        %get3A_866 = arith.constant 0 : index
        %get3A_867 = tpu.vector_load %arg8[%get3A_863, %get3A_864, %get3A_865, %get3A_866] {strides = array<i32>} : memref<2x8x128x32xf32, #tpu.memory_space<vmem>>, vector<16xf32>,
        %get3A_868 = arith.constant 6 : i32
        %get3A_869 = arith.index_cast %get3A_868 : i32 to index
        %get3A_870 = arith.constant 0 : index
        %get3A_871 = tpu.vector_load %arg6[%get3A_869, %get3A_870] {strides = array<i32>} : memref<8x16xf32, #tpu.memory_space<vmem>>, vector<16xf32>,
        %mul3A_872 = arith.mulf %get3A_867, %get3A_871 : vector<16xf32>
        %add3A_873 = arith.addf %add3A_847, %mul3A_872 : vector<16xf32>
        %get3A_874 = arith.constant 0 : i32
        %get3A_875 = arith.constant 6 : i32
        %get3A_876 = arith.index_cast %get3A_874 : i32 to index
        %get3A_877 = arith.index_cast %get3A_875 : i32 to index
        %get3A_878 = arith.index_cast %scan3A_707 : i32 to index
        %get3A_879 = arith.constant 16 : index
        %get3A_880 = tpu.vector_load %arg8[%get3A_876, %get3A_877, %get3A_878, %get3A_879] {strides = array<i32>} : memref<2x8x128x32xf32, #tpu.memory_space<vmem>>, vector<16xf32>,
        %get3A_881 = arith.constant 6 : i32
        %get3A_882 = arith.index_cast %get3A_881 : i32 to index
        %get3A_883 = arith.constant 0 : index
        %get3A_884 = tpu.vector_load %arg6[%get3A_882, %get3A_883] {strides = array<i32>} : memref<8x16xf32, #tpu.memory_space<vmem>>, vector<16xf32>,
        %mul3A_885 = arith.mulf %get3A_880, %get3A_884 : vector<16xf32>
        %add3A_886 = arith.addf %add3A_860, %mul3A_885 : vector<16xf32>
        %get3A_887 = arith.constant 0 : i32
        %get3A_888 = arith.constant 7 : i32
        %get3A_889 = arith.index_cast %get3A_887 : i32 to index
        %get3A_890 = arith.index_cast %get3A_888 : i32 to index
        %get3A_891 = arith.index_cast %scan3A_707 : i32 to index
        %get3A_892 = arith.constant 0 : index
        %get3A_893 = tpu.vector_load %arg8[%get3A_889, %get3A_890, %get3A_891, %get3A_892] {strides = array<i32>} : memref<2x8x128x32xf32, #tpu.memory_space<vmem>>, vector<16xf32>,
        %get3A_894 = arith.constant 7 : i32
        %get3A_895 = arith.index_cast %get3A_894 : i32 to index
        %get3A_896 = arith.constant 0 : index
        %get3A_897 = tpu.vector_load %arg6[%get3A_895, %get3A_896] {strides = array<i32>} : memref<8x16xf32, #tpu.memory_space<vmem>>, vector<16xf32>,
        %mul3A_898 = arith.mulf %get3A_893, %get3A_897 : vector<16xf32>
        %add3A_899 = arith.addf %add3A_873, %mul3A_898 : vector<16xf32>
        %get3A_900 = arith.constant 0 : i32
        %get3A_901 = arith.constant 7 : i32
        %get3A_902 = arith.index_cast %get3A_900 : i32 to index
        %get3A_903 = arith.index_cast %get3A_901 : i32 to index
        %get3A_904 = arith.index_cast %scan3A_707 : i32 to index
        %get3A_905 = arith.constant 16 : index
        %get3A_906 = tpu.vector_load %arg8[%get3A_902, %get3A_903, %get3A_904, %get3A_905] {strides = array<i32>} : memref<2x8x128x32xf32, #tpu.memory_space<vmem>>, vector<16xf32>,
        %get3A_907 = arith.constant 7 : i32
        %get3A_908 = arith.index_cast %get3A_907 : i32 to index
        %get3A_909 = arith.constant 0 : index
        %get3A_910 = tpu.vector_load %arg6[%get3A_908, %get3A_909] {strides = array<i32>} : memref<8x16xf32, #tpu.memory_space<vmem>>, vector<16xf32>,
        %mul3A_911 = arith.mulf %get3A_906, %get3A_910 : vector<16xf32>
        %add3A_912 = arith.addf %add3A_886, %mul3A_911 : vector<16xf32>
        %broadcast_in_dim3A = arith.constant 0 : i32
        %broadcast_in_dim3A_913 = vector.broadcast %broadcast_in_dim3A : i32 to vector<16xi32>
        %add3A_914 = vector.broadcast %scan3A_707 : i32 to vector<16xi32>
        %add3A_915 = arith.addi %broadcast_in_dim3A_913, %add3A_914 : vector<16xi32>
        %scatter3A = arith.constant 0 : i32
        %scatter3A_916 = arith.constant 0 : i32
        %scatter3A_917 = arith.constant 0 : i32
        %scatter3A_918 = tpu.memref_slice %arg9[%scatter3A, %scatter3A_916, %scatter3A_917] : memref<2x32x128xf32, #tpu.memory_space<vmem>> -> memref<1x32x128xf32, #tpu.memory_space<vmem>>
        %scatter3A_919 = tpu.memref_squeeze %scatter3A_918 : memref<1x32x128xf32, #tpu.memory_space<vmem>> -> memref<32x128xf32, #tpu.memory_space<vmem>>
        tpu.vector_store_idx %scatter3A_919[%iota3A, %add3A_915], %add3A_899 : memref<32x128xf32, #tpu.memory_space<vmem>>[vector<16xi32>, vector<16xi32>], vector<16xf32>,
        %add3A_920 = arith.constant 16 : i32
        %add3A_921 = vector.broadcast %add3A_920 : i32 to vector<16xi32>
        %add3A_922 = arith.addi %iota3A, %add3A_921 : vector<16xi32>
        %scatter3A_923 = arith.constant 0 : i32
        %scatter3A_924 = arith.constant 0 : i32
        %scatter3A_925 = arith.constant 0 : i32
        %scatter3A_926 = tpu.memref_slice %arg9[%scatter3A_923, %scatter3A_924, %scatter3A_925] : memref<2x32x128xf32, #tpu.memory_space<vmem>> -> memref<1x32x128xf32, #tpu.memory_space<vmem>>
        %scatter3A_927 = tpu.memref_squeeze %scatter3A_926 : memref<1x32x128xf32, #tpu.memory_space<vmem>> -> memref<32x128xf32, #tpu.memory_space<vmem>>
        tpu.vector_store_idx %scatter3A_927[%add3A_922, %add3A_915], %add3A_912 : memref<32x128xf32, #tpu.memory_space<vmem>>[vector<16xi32>, vector<16xi32>], vector<16xf32>,
      }
      %scan3A_503 = arith.constant 128 : i32
      %dma_start3A_504 = arith.constant 0 : i32
      %dma_start3A_505 = arith.constant 0 : i32
      %dma_start3A_506 = arith.constant 0 : i32
      %dma_start3A_507 = tpu.memref_slice %arg9[%dma_start3A_504, %dma_start3A_505, %dma_start3A_506] : memref<2x32x128xf32, #tpu.memory_space<vmem>> -> memref<1x32x128xf32, #tpu.memory_space<vmem>>
      %dma_start3A_508 = tpu.memref_squeeze %dma_start3A_507 : memref<1x32x128xf32, #tpu.memory_space<vmem>> -> memref<32x128xf32, #tpu.memory_space<vmem>>
      %dma_start3A_509 = arith.constant 0 : i32
      %dma_start3A_510 = tpu.memref_slice %arg5[%mul3A_188, %dma_start3A_509, %multiple_of3A] : memref<50x32x4096xf32, #tpu.memory_space<hbm>> -> memref<1x32x128xf32, #tpu.memory_space<hbm>>
      %dma_start3A_511 = tpu.memref_squeeze %dma_start3A_510 : memref<1x32x128xf32, #tpu.memory_space<hbm>> -> memref<32x128xf32, #tpu.memory_space<hbm>>
      %dma_start3A_512 = arith.constant 0 : i32
      %dma_start3A_513 = tpu.memref_slice %arg5[%mul3A_188, %dma_start3A_512, %multiple_of3A] : memref<50x32x4096xf32, #tpu.memory_space<hbm>> -> memref<1x32x128xf32, #tpu.memory_space<hbm>>
      %dma_start3A_514 = tpu.memref_squeeze %dma_start3A_513 : memref<1x32x128xf32, #tpu.memory_space<hbm>> -> memref<32x128xf32, #tpu.memory_space<hbm>>
      %dma_start3A_515 = arith.constant 0 : i32
      %dma_start3A_516 = arith.constant 0 : i32
      %dma_start3A_517 = tpu.memref_slice %arg9[%dma_start3A_504, %dma_start3A_515, %dma_start3A_516] : memref<2x32x128xf32, #tpu.memory_space<vmem>> -> memref<1x32x128xf32, #tpu.memory_space<vmem>>
      %dma_start3A_518 = tpu.memref_squeeze %dma_start3A_517 : memref<1x32x128xf32, #tpu.memory_space<vmem>> -> memref<32x128xf32, #tpu.memory_space<vmem>>
      tpu.enqueue_dma source(%dma_start3A_518 : memref<32x128xf32, #tpu.memory_space<vmem>>) target(%dma_start3A_514 : memref<32x128xf32, #tpu.memory_space<hbm>>) target_semaphore(%arg12 : memref<!tpu.dma_semaphore, #tpu.memory_space<semaphore_mem>>)
      %lt3A = arith.constant 24 : i32
      %lt3A_519 = arith.cmpi slt, %scan3A_186, %lt3A : i32
      %convert_element_type3A_520 = arith.extui %lt3A_519 : i1 to i32
      %cond3A_521 = arith.constant 0 : i32
      %cond3A_522 = arith.cmpi ne, %convert_element_type3A_520, %cond3A_521 : i32
      scf.if %cond3A_522 {
        %add3A_707 = arith.constant 2 : i32
        %add3A_708 = arith.addi %mul3A_188, %add3A_707 : i32
        %add3A_709 = arith.constant 0 : i32
        %add3A_710 = arith.addi %add3A_709, %add3A_708 : i32
        %dma_start3A_711 = arith.constant 0 : i32
        %dma_start3A_712 = arith.constant 0 : i32
        %dma_start3A_713 = arith.constant 0 : i32
        %dma_start3A_714 = arith.constant 0 : i32
        %dma_start3A_715 = arith.constant 0 : i32
        %dma_start3A_716 = tpu.memref_slice %arg8[%dma_start3A_712, %dma_start3A_713, %dma_start3A_714, %dma_start3A_715] : memref<2x8x128x32xf32, #tpu.memory_space<vmem>> -> memref<1x1x128x32xf32, #tpu.memory_space<vmem>>
        %dma_start3A_717 = tpu.memref_squeeze %dma_start3A_716 : memref<1x1x128x32xf32, #tpu.memory_space<vmem>> -> memref<128x32xf32, #tpu.memory_space<vmem>>
        %dma_start3A_718 = arith.constant 0 : i32
        %dma_start3A_719 = tpu.memref_slice %arg7[%add3A_710, %dma_start3A_718] : memref<400x128xi32, #tpu.memory_space<vmem>> -> memref<1x128xi32, #tpu.memory_space<vmem>>
        %dma_start3A_720 = tpu.memref_squeeze %dma_start3A_719 : memref<1x128xi32, #tpu.memory_space<vmem>> -> memref<128xi32, #tpu.memory_space<vmem>>
        %dma_start3A_721 = arith.constant 0 : i32
        %dma_start3A_722 = arith.constant 0 : i32
        %dma_start3A_723 = tpu.memref_slice %arg3[%dma_start3A_711, %dma_start3A_721, %dma_start3A_722] : memref<8x100000x32xf32, #tpu.memory_space<hbm>> -> memref<1x100000x32xf32, #tpu.memory_space<hbm>>
        %dma_start3A_724 = tpu.memref_squeeze %dma_start3A_723 : memref<1x100000x32xf32, #tpu.memory_space<hbm>> -> memref<100000x32xf32, #tpu.memory_space<hbm>>
        %dma_start3A_725 = arith.constant 0 : i32
        %dma_start3A_726 = arith.constant 0 : i32
        %dma_start3A_727 = tpu.memref_slice %dma_start3A_724[%dma_start3A_725, %dma_start3A_726] : memref<100000x32xf32, #tpu.memory_space<hbm>> -> memref<100000x32xf32, #tpu.memory_space<hbm>>
        tpu.enqueue_indirect_dma source(%dma_start3A_727 : memref<100000x32xf32, #tpu.memory_space<hbm>>) target(%dma_start3A_717 : memref<128x32xf32, #tpu.memory_space<vmem>>) offsets(%dma_start3A_720 : memref<128xi32, #tpu.memory_space<vmem>>) semaphore(%arg10 : memref<!tpu.dma_semaphore, #tpu.memory_space<semaphore_mem>>)
        %add3A_728 = arith.constant 50 : i32
        %add3A_729 = arith.addi %add3A_728, %add3A_708 : i32
        %dma_start3A_730 = arith.constant 1 : i32
        %dma_start3A_731 = arith.constant 0 : i32
        %dma_start3A_732 = arith.constant 1 : i32
        %dma_start3A_733 = arith.constant 0 : i32
        %dma_start3A_734 = arith.constant 0 : i32
        %dma_start3A_735 = tpu.memref_slice %arg8[%dma_start3A_731, %dma_start3A_732, %dma_start3A_733, %dma_start3A_734] : memref<2x8x128x32xf32, #tpu.memory_space<vmem>> -> memref<1x1x128x32xf32, #tpu.memory_space<vmem>>
        %dma_start3A_736 = tpu.memref_squeeze %dma_start3A_735 : memref<1x1x128x32xf32, #tpu.memory_space<vmem>> -> memref<128x32xf32, #tpu.memory_space<vmem>>
        %dma_start3A_737 = arith.constant 0 : i32
        %dma_start3A_738 = tpu.memref_slice %arg7[%add3A_729, %dma_start3A_737] : memref<400x128xi32, #tpu.memory_space<vmem>> -> memref<1x128xi32, #tpu.memory_space<vmem>>
        %dma_start3A_739 = tpu.memref_squeeze %dma_start3A_738 : memref<1x128xi32, #tpu.memory_space<vmem>> -> memref<128xi32, #tpu.memory_space<vmem>>
        %dma_start3A_740 = arith.constant 0 : i32
        %dma_start3A_741 = arith.constant 0 : i32
        %dma_start3A_742 = tpu.memref_slice %arg3[%dma_start3A_730, %dma_start3A_740, %dma_start3A_741] : memref<8x100000x32xf32, #tpu.memory_space<hbm>> -> memref<1x100000x32xf32, #tpu.memory_space<hbm>>
        %dma_start3A_743 = tpu.memref_squeeze %dma_start3A_742 : memref<1x100000x32xf32, #tpu.memory_space<hbm>> -> memref<100000x32xf32, #tpu.memory_space<hbm>>
        %dma_start3A_744 = arith.constant 0 : i32
        %dma_start3A_745 = arith.constant 0 : i32
        %dma_start3A_746 = tpu.memref_slice %dma_start3A_743[%dma_start3A_744, %dma_start3A_745] : memref<100000x32xf32, #tpu.memory_space<hbm>> -> memref<100000x32xf32, #tpu.memory_space<hbm>>
        tpu.enqueue_indirect_dma source(%dma_start3A_746 : memref<100000x32xf32, #tpu.memory_space<hbm>>) target(%dma_start3A_736 : memref<128x32xf32, #tpu.memory_space<vmem>>) offsets(%dma_start3A_739 : memref<128xi32, #tpu.memory_space<vmem>>) semaphore(%arg10 : memref<!tpu.dma_semaphore, #tpu.memory_space<semaphore_mem>>)
        %add3A_747 = arith.constant 100 : i32
        %add3A_748 = arith.addi %add3A_747, %add3A_708 : i32
        %dma_start3A_749 = arith.constant 2 : i32
        %dma_start3A_750 = arith.constant 0 : i32
        %dma_start3A_751 = arith.constant 2 : i32
        %dma_start3A_752 = arith.constant 0 : i32
        %dma_start3A_753 = arith.constant 0 : i32
        %dma_start3A_754 = tpu.memref_slice %arg8[%dma_start3A_750, %dma_start3A_751, %dma_start3A_752, %dma_start3A_753] : memref<2x8x128x32xf32, #tpu.memory_space<vmem>> -> memref<1x1x128x32xf32, #tpu.memory_space<vmem>>
        %dma_start3A_755 = tpu.memref_squeeze %dma_start3A_754 : memref<1x1x128x32xf32, #tpu.memory_space<vmem>> -> memref<128x32xf32, #tpu.memory_space<vmem>>
        %dma_start3A_756 = arith.constant 0 : i32
        %dma_start3A_757 = tpu.memref_slice %arg7[%add3A_748, %dma_start3A_756] : memref<400x128xi32, #tpu.memory_space<vmem>> -> memref<1x128xi32, #tpu.memory_space<vmem>>
        %dma_start3A_758 = tpu.memref_squeeze %dma_start3A_757 : memref<1x128xi32, #tpu.memory_space<vmem>> -> memref<128xi32, #tpu.memory_space<vmem>>
        %dma_start3A_759 = arith.constant 0 : i32
        %dma_start3A_760 = arith.constant 0 : i32
        %dma_start3A_761 = tpu.memref_slice %arg3[%dma_start3A_749, %dma_start3A_759, %dma_start3A_760] : memref<8x100000x32xf32, #tpu.memory_space<hbm>> -> memref<1x100000x32xf32, #tpu.memory_space<hbm>>
        %dma_start3A_762 = tpu.memref_squeeze %dma_start3A_761 : memref<1x100000x32xf32, #tpu.memory_space<hbm>> -> memref<100000x32xf32, #tpu.memory_space<hbm>>
        %dma_start3A_763 = arith.constant 0 : i32
        %dma_start3A_764 = arith.constant 0 : i32
        %dma_start3A_765 = tpu.memref_slice %dma_start3A_762[%dma_start3A_763, %dma_start3A_764] : memref<100000x32xf32, #tpu.memory_space<hbm>> -> memref<100000x32xf32, #tpu.memory_space<hbm>>
        tpu.enqueue_indirect_dma source(%dma_start3A_765 : memref<100000x32xf32, #tpu.memory_space<hbm>>) target(%dma_start3A_755 : memref<128x32xf32, #tpu.memory_space<vmem>>) offsets(%dma_start3A_758 : memref<128xi32, #tpu.memory_space<vmem>>) semaphore(%arg10 : memref<!tpu.dma_semaphore, #tpu.memory_space<semaphore_mem>>)
        %add3A_766 = arith.constant 150 : i32
        %add3A_767 = arith.addi %add3A_766, %add3A_708 : i32
        %dma_start3A_768 = arith.constant 3 : i32
        %dma_start3A_769 = arith.constant 0 : i32
        %dma_start3A_770 = arith.constant 3 : i32
        %dma_start3A_771 = arith.constant 0 : i32
        %dma_start3A_772 = arith.constant 0 : i32
        %dma_start3A_773 = tpu.memref_slice %arg8[%dma_start3A_769, %dma_start3A_770, %dma_start3A_771, %dma_start3A_772] : memref<2x8x128x32xf32, #tpu.memory_space<vmem>> -> memref<1x1x128x32xf32, #tpu.memory_space<vmem>>
        %dma_start3A_774 = tpu.memref_squeeze %dma_start3A_773 : memref<1x1x128x32xf32, #tpu.memory_space<vmem>> -> memref<128x32xf32, #tpu.memory_space<vmem>>
        %dma_start3A_775 = arith.constant 0 : i32
        %dma_start3A_776 = tpu.memref_slice %arg7[%add3A_767, %dma_start3A_775] : memref<400x128xi32, #tpu.memory_space<vmem>> -> memref<1x128xi32, #tpu.memory_space<vmem>>
        %dma_start3A_777 = tpu.memref_squeeze %dma_start3A_776 : memref<1x128xi32, #tpu.memory_space<vmem>> -> memref<128xi32, #tpu.memory_space<vmem>>
        %dma_start3A_778 = arith.constant 0 : i32
        %dma_start3A_779 = arith.constant 0 : i32
        %dma_start3A_780 = tpu.memref_slice %arg3[%dma_start3A_768, %dma_start3A_778, %dma_start3A_779] : memref<8x100000x32xf32, #tpu.memory_space<hbm>> -> memref<1x100000x32xf32, #tpu.memory_space<hbm>>
        %dma_start3A_781 = tpu.memref_squeeze %dma_start3A_780 : memref<1x100000x32xf32, #tpu.memory_space<hbm>> -> memref<100000x32xf32, #tpu.memory_space<hbm>>
        %dma_start3A_782 = arith.constant 0 : i32
        %dma_start3A_783 = arith.constant 0 : i32
        %dma_start3A_784 = tpu.memref_slice %dma_start3A_781[%dma_start3A_782, %dma_start3A_783] : memref<100000x32xf32, #tpu.memory_space<hbm>> -> memref<100000x32xf32, #tpu.memory_space<hbm>>
        tpu.enqueue_indirect_dma source(%dma_start3A_784 : memref<100000x32xf32, #tpu.memory_space<hbm>>) target(%dma_start3A_774 : memref<128x32xf32, #tpu.memory_space<vmem>>) offsets(%dma_start3A_777 : memref<128xi32, #tpu.memory_space<vmem>>) semaphore(%arg10 : memref<!tpu.dma_semaphore, #tpu.memory_space<semaphore_mem>>)
        %add3A_785 = arith.constant 200 : i32
        %add3A_786 = arith.addi %add3A_785, %add3A_708 : i32
        %dma_start3A_787 = arith.constant 4 : i32
        %dma_start3A_788 = arith.constant 0 : i32
        %dma_start3A_789 = arith.constant 4 : i32
        %dma_start3A_790 = arith.constant 0 : i32
        %dma_start3A_791 = arith.constant 0 : i32
        %dma_start3A_792 = tpu.memref_slice %arg8[%dma_start3A_788, %dma_start3A_789, %dma_start3A_790, %dma_start3A_791] : memref<2x8x128x32xf32, #tpu.memory_space<vmem>> -> memref<1x1x128x32xf32, #tpu.memory_space<vmem>>
        %dma_start3A_793 = tpu.memref_squeeze %dma_start3A_792 : memref<1x1x128x32xf32, #tpu.memory_space<vmem>> -> memref<128x32xf32, #tpu.memory_space<vmem>>
        %dma_start3A_794 = arith.constant 0 : i32
        %dma_start3A_795 = tpu.memref_slice %arg7[%add3A_786, %dma_start3A_794] : memref<400x128xi32, #tpu.memory_space<vmem>> -> memref<1x128xi32, #tpu.memory_space<vmem>>
        %dma_start3A_796 = tpu.memref_squeeze %dma_start3A_795 : memref<1x128xi32, #tpu.memory_space<vmem>> -> memref<128xi32, #tpu.memory_space<vmem>>
        %dma_start3A_797 = arith.constant 0 : i32
        %dma_start3A_798 = arith.constant 0 : i32
        %dma_start3A_799 = tpu.memref_slice %arg3[%dma_start3A_787, %dma_start3A_797, %dma_start3A_798] : memref<8x100000x32xf32, #tpu.memory_space<hbm>> -> memref<1x100000x32xf32, #tpu.memory_space<hbm>>
        %dma_start3A_800 = tpu.memref_squeeze %dma_start3A_799 : memref<1x100000x32xf32, #tpu.memory_space<hbm>> -> memref<100000x32xf32, #tpu.memory_space<hbm>>
        %dma_start3A_801 = arith.constant 0 : i32
        %dma_start3A_802 = arith.constant 0 : i32
        %dma_start3A_803 = tpu.memref_slice %dma_start3A_800[%dma_start3A_801, %dma_start3A_802] : memref<100000x32xf32, #tpu.memory_space<hbm>> -> memref<100000x32xf32, #tpu.memory_space<hbm>>
        tpu.enqueue_indirect_dma source(%dma_start3A_803 : memref<100000x32xf32, #tpu.memory_space<hbm>>) target(%dma_start3A_793 : memref<128x32xf32, #tpu.memory_space<vmem>>) offsets(%dma_start3A_796 : memref<128xi32, #tpu.memory_space<vmem>>) semaphore(%arg10 : memref<!tpu.dma_semaphore, #tpu.memory_space<semaphore_mem>>)
        %add3A_804 = arith.constant 250 : i32
        %add3A_805 = arith.addi %add3A_804, %add3A_708 : i32
        %dma_start3A_806 = arith.constant 5 : i32
        %dma_start3A_807 = arith.constant 0 : i32
        %dma_start3A_808 = arith.constant 5 : i32
        %dma_start3A_809 = arith.constant 0 : i32
        %dma_start3A_810 = arith.constant 0 : i32
        %dma_start3A_811 = tpu.memref_slice %arg8[%dma_start3A_807, %dma_start3A_808, %dma_start3A_809, %dma_start3A_810] : memref<2x8x128x32xf32, #tpu.memory_space<vmem>> -> memref<1x1x128x32xf32, #tpu.memory_space<vmem>>
        %dma_start3A_812 = tpu.memref_squeeze %dma_start3A_811 : memref<1x1x128x32xf32, #tpu.memory_space<vmem>> -> memref<128x32xf32, #tpu.memory_space<vmem>>
        %dma_start3A_813 = arith.constant 0 : i32
        %dma_start3A_814 = tpu.memref_slice %arg7[%add3A_805, %dma_start3A_813] : memref<400x128xi32, #tpu.memory_space<vmem>> -> memref<1x128xi32, #tpu.memory_space<vmem>>
        %dma_start3A_815 = tpu.memref_squeeze %dma_start3A_814 : memref<1x128xi32, #tpu.memory_space<vmem>> -> memref<128xi32, #tpu.memory_space<vmem>>
        %dma_start3A_816 = arith.constant 0 : i32
        %dma_start3A_817 = arith.constant 0 : i32
        %dma_start3A_818 = tpu.memref_slice %arg3[%dma_start3A_806, %dma_start3A_816, %dma_start3A_817] : memref<8x100000x32xf32, #tpu.memory_space<hbm>> -> memref<1x100000x32xf32, #tpu.memory_space<hbm>>
        %dma_start3A_819 = tpu.memref_squeeze %dma_start3A_818 : memref<1x100000x32xf32, #tpu.memory_space<hbm>> -> memref<100000x32xf32, #tpu.memory_space<hbm>>
        %dma_start3A_820 = arith.constant 0 : i32
        %dma_start3A_821 = arith.constant 0 : i32
        %dma_start3A_822 = tpu.memref_slice %dma_start3A_819[%dma_start3A_820, %dma_start3A_821] : memref<100000x32xf32, #tpu.memory_space<hbm>> -> memref<100000x32xf32, #tpu.memory_space<hbm>>
        tpu.enqueue_indirect_dma source(%dma_start3A_822 : memref<100000x32xf32, #tpu.memory_space<hbm>>) target(%dma_start3A_812 : memref<128x32xf32, #tpu.memory_space<vmem>>) offsets(%dma_start3A_815 : memref<128xi32, #tpu.memory_space<vmem>>) semaphore(%arg10 : memref<!tpu.dma_semaphore, #tpu.memory_space<semaphore_mem>>)
        %add3A_823 = arith.constant 300 : i32
        %add3A_824 = arith.addi %add3A_823, %add3A_708 : i32
        %dma_start3A_825 = arith.constant 6 : i32
        %dma_start3A_826 = arith.constant 0 : i32
        %dma_start3A_827 = arith.constant 6 : i32
        %dma_start3A_828 = arith.constant 0 : i32
        %dma_start3A_829 = arith.constant 0 : i32
        %dma_start3A_830 = tpu.memref_slice %arg8[%dma_start3A_826, %dma_start3A_827, %dma_start3A_828, %dma_start3A_829] : memref<2x8x128x32xf32, #tpu.memory_space<vmem>> -> memref<1x1x128x32xf32, #tpu.memory_space<vmem>>
        %dma_start3A_831 = tpu.memref_squeeze %dma_start3A_830 : memref<1x1x128x32xf32, #tpu.memory_space<vmem>> -> memref<128x32xf32, #tpu.memory_space<vmem>>
        %dma_start3A_832 = arith.constant 0 : i32
        %dma_start3A_833 = tpu.memref_slice %arg7[%add3A_824, %dma_start3A_832] : memref<400x128xi32, #tpu.memory_space<vmem>> -> memref<1x128xi32, #tpu.memory_space<vmem>>
        %dma_start3A_834 = tpu.memref_squeeze %dma_start3A_833 : memref<1x128xi32, #tpu.memory_space<vmem>> -> memref<128xi32, #tpu.memory_space<vmem>>
        %dma_start3A_835 = arith.constant 0 : i32
        %dma_start3A_836 = arith.constant 0 : i32
        %dma_start3A_837 = tpu.memref_slice %arg3[%dma_start3A_825, %dma_start3A_835, %dma_start3A_836] : memref<8x100000x32xf32, #tpu.memory_space<hbm>> -> memref<1x100000x32xf32, #tpu.memory_space<hbm>>
        %dma_start3A_838 = tpu.memref_squeeze %dma_start3A_837 : memref<1x100000x32xf32, #tpu.memory_space<hbm>> -> memref<100000x32xf32, #tpu.memory_space<hbm>>
        %dma_start3A_839 = arith.constant 0 : i32
        %dma_start3A_840 = arith.constant 0 : i32
        %dma_start3A_841 = tpu.memref_slice %dma_start3A_838[%dma_start3A_839, %dma_start3A_840] : memref<100000x32xf32, #tpu.memory_space<hbm>> -> memref<100000x32xf32, #tpu.memory_space<hbm>>
        tpu.enqueue_indirect_dma source(%dma_start3A_841 : memref<100000x32xf32, #tpu.memory_space<hbm>>) target(%dma_start3A_831 : memref<128x32xf32, #tpu.memory_space<vmem>>) offsets(%dma_start3A_834 : memref<128xi32, #tpu.memory_space<vmem>>) semaphore(%arg10 : memref<!tpu.dma_semaphore, #tpu.memory_space<semaphore_mem>>)
        %add3A_842 = arith.constant 350 : i32
        %add3A_843 = arith.addi %add3A_842, %add3A_708 : i32
        %dma_start3A_844 = arith.constant 7 : i32
        %dma_start3A_845 = arith.constant 0 : i32
        %dma_start3A_846 = arith.constant 7 : i32
        %dma_start3A_847 = arith.constant 0 : i32
        %dma_start3A_848 = arith.constant 0 : i32
        %dma_start3A_849 = tpu.memref_slice %arg8[%dma_start3A_845, %dma_start3A_846, %dma_start3A_847, %dma_start3A_848] : memref<2x8x128x32xf32, #tpu.memory_space<vmem>> -> memref<1x1x128x32xf32, #tpu.memory_space<vmem>>
        %dma_start3A_850 = tpu.memref_squeeze %dma_start3A_849 : memref<1x1x128x32xf32, #tpu.memory_space<vmem>> -> memref<128x32xf32, #tpu.memory_space<vmem>>
        %dma_start3A_851 = arith.constant 0 : i32
        %dma_start3A_852 = tpu.memref_slice %arg7[%add3A_843, %dma_start3A_851] : memref<400x128xi32, #tpu.memory_space<vmem>> -> memref<1x128xi32, #tpu.memory_space<vmem>>
        %dma_start3A_853 = tpu.memref_squeeze %dma_start3A_852 : memref<1x128xi32, #tpu.memory_space<vmem>> -> memref<128xi32, #tpu.memory_space<vmem>>
        %dma_start3A_854 = arith.constant 0 : i32
        %dma_start3A_855 = arith.constant 0 : i32
        %dma_start3A_856 = tpu.memref_slice %arg3[%dma_start3A_844, %dma_start3A_854, %dma_start3A_855] : memref<8x100000x32xf32, #tpu.memory_space<hbm>> -> memref<1x100000x32xf32, #tpu.memory_space<hbm>>
        %dma_start3A_857 = tpu.memref_squeeze %dma_start3A_856 : memref<1x100000x32xf32, #tpu.memory_space<hbm>> -> memref<100000x32xf32, #tpu.memory_space<hbm>>
        %dma_start3A_858 = arith.constant 0 : i32
        %dma_start3A_859 = arith.constant 0 : i32
        %dma_start3A_860 = tpu.memref_slice %dma_start3A_857[%dma_start3A_858, %dma_start3A_859] : memref<100000x32xf32, #tpu.memory_space<hbm>> -> memref<100000x32xf32, #tpu.memory_space<hbm>>
        tpu.enqueue_indirect_dma source(%dma_start3A_860 : memref<100000x32xf32, #tpu.memory_space<hbm>>) target(%dma_start3A_850 : memref<128x32xf32, #tpu.memory_space<vmem>>) offsets(%dma_start3A_853 : memref<128xi32, #tpu.memory_space<vmem>>) semaphore(%arg10 : memref<!tpu.dma_semaphore, #tpu.memory_space<semaphore_mem>>)
      } else {
      }
      %add3A_523 = arith.constant 1 : i32
      %add3A_524 = arith.addi %mul3A_188, %add3A_523 : i32
      %add3A_525 = arith.constant 0 : i32
      %add3A_526 = arith.addi %add3A_525, %add3A_524 : i32
      %dma_wait3A_527 = arith.constant 0 : i32
      %dma_wait3A_528 = arith.constant 1 : i32
      %dma_wait3A_529 = arith.constant 0 : i32
      %dma_wait3A_530 = arith.constant 0 : i32
      %dma_wait3A_531 = arith.constant 0 : i32
      %dma_wait3A_532 = tpu.memref_slice %arg8[%dma_wait3A_528, %dma_wait3A_529, %dma_wait3A_530, %dma_wait3A_531] : memref<2x8x128x32xf32, #tpu.memory_space<vmem>> -> memref<1x1x128x32xf32, #tpu.memory_space<vmem>>
      %dma_wait3A_533 = tpu.memref_squeeze %dma_wait3A_532 : memref<1x1x128x32xf32, #tpu.memory_space<vmem>> -> memref<128x32xf32, #tpu.memory_space<vmem>>
      %dma_wait3A_534 = arith.constant 0 : i32
      %dma_wait3A_535 = tpu.memref_slice %arg7[%add3A_526, %dma_wait3A_534] : memref<400x128xi32, #tpu.memory_space<vmem>> -> memref<1x128xi32, #tpu.memory_space<vmem>>
      %dma_wait3A_536 = tpu.memref_squeeze %dma_wait3A_535 : memref<1x128xi32, #tpu.memory_space<vmem>> -> memref<128xi32, #tpu.memory_space<vmem>>
      %dma_wait3A_537 = arith.constant 0 : i32
      %dma_wait3A_538 = arith.constant 0 : i32
      %dma_wait3A_539 = tpu.memref_slice %arg3[%dma_wait3A_527, %dma_wait3A_537, %dma_wait3A_538] : memref<8x100000x32xf32, #tpu.memory_space<hbm>> -> memref<1x100000x32xf32, #tpu.memory_space<hbm>>
      %dma_wait3A_540 = tpu.memref_squeeze %dma_wait3A_539 : memref<1x100000x32xf32, #tpu.memory_space<hbm>> -> memref<100000x32xf32, #tpu.memory_space<hbm>>
      %dma_wait3A_541 = arith.constant 0 : i32
      %dma_wait3A_542 = arith.constant 0 : i32
      %dma_wait3A_543 = tpu.memref_slice %dma_wait3A_540[%dma_wait3A_541, %dma_wait3A_542] : memref<100000x32xf32, #tpu.memory_space<hbm>> -> memref<100000x32xf32, #tpu.memory_space<hbm>>
      tpu.wait_indirect_dma semaphore(%arg11 : memref<!tpu.dma_semaphore, #tpu.memory_space<semaphore_mem>>) src(%dma_wait3A_543 : memref<100000x32xf32, #tpu.memory_space<hbm>>) dst(%dma_wait3A_533 : memref<128x32xf32, #tpu.memory_space<vmem>>)
      %add3A_544 = arith.constant 50 : i32
      %add3A_545 = arith.addi %add3A_544, %add3A_524 : i32
      %dma_wait3A_546 = arith.constant 1 : i32
      %dma_wait3A_547 = arith.constant 1 : i32
      %dma_wait3A_548 = arith.constant 1 : i32
      %dma_wait3A_549 = arith.constant 0 : i32
      %dma_wait3A_550 = arith.constant 0 : i32
      %dma_wait3A_551 = tpu.memref_slice %arg8[%dma_wait3A_547, %dma_wait3A_548, %dma_wait3A_549, %dma_wait3A_550] : memref<2x8x128x32xf32, #tpu.memory_space<vmem>> -> memref<1x1x128x32xf32, #tpu.memory_space<vmem>>
      %dma_wait3A_552 = tpu.memref_squeeze %dma_wait3A_551 : memref<1x1x128x32xf32, #tpu.memory_space<vmem>> -> memref<128x32xf32, #tpu.memory_space<vmem>>
      %dma_wait3A_553 = arith.constant 0 : i32
      %dma_wait3A_554 = tpu.memref_slice %arg7[%add3A_545, %dma_wait3A_553] : memref<400x128xi32, #tpu.memory_space<vmem>> -> memref<1x128xi32, #tpu.memory_space<vmem>>
      %dma_wait3A_555 = tpu.memref_squeeze %dma_wait3A_554 : memref<1x128xi32, #tpu.memory_space<vmem>> -> memref<128xi32, #tpu.memory_space<vmem>>
      %dma_wait3A_556 = arith.constant 0 : i32
      %dma_wait3A_557 = arith.constant 0 : i32
      %dma_wait3A_558 = tpu.memref_slice %arg3[%dma_wait3A_546, %dma_wait3A_556, %dma_wait3A_557] : memref<8x100000x32xf32, #tpu.memory_space<hbm>> -> memref<1x100000x32xf32, #tpu.memory_space<hbm>>
      %dma_wait3A_559 = tpu.memref_squeeze %dma_wait3A_558 : memref<1x100000x32xf32, #tpu.memory_space<hbm>> -> memref<100000x32xf32, #tpu.memory_space<hbm>>
      %dma_wait3A_560 = arith.constant 0 : i32
      %dma_wait3A_561 = arith.constant 0 : i32
      %dma_wait3A_562 = tpu.memref_slice %dma_wait3A_559[%dma_wait3A_560, %dma_wait3A_561] : memref<100000x32xf32, #tpu.memory_space<hbm>> -> memref<100000x32xf32, #tpu.memory_space<hbm>>
      tpu.wait_indirect_dma semaphore(%arg11 : memref<!tpu.dma_semaphore, #tpu.memory_space<semaphore_mem>>) src(%dma_wait3A_562 : memref<100000x32xf32, #tpu.memory_space<hbm>>) dst(%dma_wait3A_552 : memref<128x32xf32, #tpu.memory_space<vmem>>)
      %add3A_563 = arith.constant 100 : i32
      %add3A_564 = arith.addi %add3A_563, %add3A_524 : i32
      %dma_wait3A_565 = arith.constant 2 : i32
      %dma_wait3A_566 = arith.constant 1 : i32
      %dma_wait3A_567 = arith.constant 2 : i32
      %dma_wait3A_568 = arith.constant 0 : i32
      %dma_wait3A_569 = arith.constant 0 : i32
      %dma_wait3A_570 = tpu.memref_slice %arg8[%dma_wait3A_566, %dma_wait3A_567, %dma_wait3A_568, %dma_wait3A_569] : memref<2x8x128x32xf32, #tpu.memory_space<vmem>> -> memref<1x1x128x32xf32, #tpu.memory_space<vmem>>
      %dma_wait3A_571 = tpu.memref_squeeze %dma_wait3A_570 : memref<1x1x128x32xf32, #tpu.memory_space<vmem>> -> memref<128x32xf32, #tpu.memory_space<vmem>>
      %dma_wait3A_572 = arith.constant 0 : i32
      %dma_wait3A_573 = tpu.memref_slice %arg7[%add3A_564, %dma_wait3A_572] : memref<400x128xi32, #tpu.memory_space<vmem>> -> memref<1x128xi32, #tpu.memory_space<vmem>>
      %dma_wait3A_574 = tpu.memref_squeeze %dma_wait3A_573 : memref<1x128xi32, #tpu.memory_space<vmem>> -> memref<128xi32, #tpu.memory_space<vmem>>
      %dma_wait3A_575 = arith.constant 0 : i32
      %dma_wait3A_576 = arith.constant 0 : i32
      %dma_wait3A_577 = tpu.memref_slice %arg3[%dma_wait3A_565, %dma_wait3A_575, %dma_wait3A_576] : memref<8x100000x32xf32, #tpu.memory_space<hbm>> -> memref<1x100000x32xf32, #tpu.memory_space<hbm>>
      %dma_wait3A_578 = tpu.memref_squeeze %dma_wait3A_577 : memref<1x100000x32xf32, #tpu.memory_space<hbm>> -> memref<100000x32xf32, #tpu.memory_space<hbm>>
      %dma_wait3A_579 = arith.constant 0 : i32
      %dma_wait3A_580 = arith.constant 0 : i32
      %dma_wait3A_581 = tpu.memref_slice %dma_wait3A_578[%dma_wait3A_579, %dma_wait3A_580] : memref<100000x32xf32, #tpu.memory_space<hbm>> -> memref<100000x32xf32, #tpu.memory_space<hbm>>
      tpu.wait_indirect_dma semaphore(%arg11 : memref<!tpu.dma_semaphore, #tpu.memory_space<semaphore_mem>>) src(%dma_wait3A_581 : memref<100000x32xf32, #tpu.memory_space<hbm>>) dst(%dma_wait3A_571 : memref<128x32xf32, #tpu.memory_space<vmem>>)
      %add3A_582 = arith.constant 150 : i32
      %add3A_583 = arith.addi %add3A_582, %add3A_524 : i32
      %dma_wait3A_584 = arith.constant 3 : i32
      %dma_wait3A_585 = arith.constant 1 : i32
      %dma_wait3A_586 = arith.constant 3 : i32
      %dma_wait3A_587 = arith.constant 0 : i32
      %dma_wait3A_588 = arith.constant 0 : i32
      %dma_wait3A_589 = tpu.memref_slice %arg8[%dma_wait3A_585, %dma_wait3A_586, %dma_wait3A_587, %dma_wait3A_588] : memref<2x8x128x32xf32, #tpu.memory_space<vmem>> -> memref<1x1x128x32xf32, #tpu.memory_space<vmem>>
      %dma_wait3A_590 = tpu.memref_squeeze %dma_wait3A_589 : memref<1x1x128x32xf32, #tpu.memory_space<vmem>> -> memref<128x32xf32, #tpu.memory_space<vmem>>
      %dma_wait3A_591 = arith.constant 0 : i32
      %dma_wait3A_592 = tpu.memref_slice %arg7[%add3A_583, %dma_wait3A_591] : memref<400x128xi32, #tpu.memory_space<vmem>> -> memref<1x128xi32, #tpu.memory_space<vmem>>
      %dma_wait3A_593 = tpu.memref_squeeze %dma_wait3A_592 : memref<1x128xi32, #tpu.memory_space<vmem>> -> memref<128xi32, #tpu.memory_space<vmem>>
      %dma_wait3A_594 = arith.constant 0 : i32
      %dma_wait3A_595 = arith.constant 0 : i32
      %dma_wait3A_596 = tpu.memref_slice %arg3[%dma_wait3A_584, %dma_wait3A_594, %dma_wait3A_595] : memref<8x100000x32xf32, #tpu.memory_space<hbm>> -> memref<1x100000x32xf32, #tpu.memory_space<hbm>>
      %dma_wait3A_597 = tpu.memref_squeeze %dma_wait3A_596 : memref<1x100000x32xf32, #tpu.memory_space<hbm>> -> memref<100000x32xf32, #tpu.memory_space<hbm>>
      %dma_wait3A_598 = arith.constant 0 : i32
      %dma_wait3A_599 = arith.constant 0 : i32
      %dma_wait3A_600 = tpu.memref_slice %dma_wait3A_597[%dma_wait3A_598, %dma_wait3A_599] : memref<100000x32xf32, #tpu.memory_space<hbm>> -> memref<100000x32xf32, #tpu.memory_space<hbm>>
      tpu.wait_indirect_dma semaphore(%arg11 : memref<!tpu.dma_semaphore, #tpu.memory_space<semaphore_mem>>) src(%dma_wait3A_600 : memref<100000x32xf32, #tpu.memory_space<hbm>>) dst(%dma_wait3A_590 : memref<128x32xf32, #tpu.memory_space<vmem>>)
      %add3A_601 = arith.constant 200 : i32
      %add3A_602 = arith.addi %add3A_601, %add3A_524 : i32
      %dma_wait3A_603 = arith.constant 4 : i32
      %dma_wait3A_604 = arith.constant 1 : i32
      %dma_wait3A_605 = arith.constant 4 : i32
      %dma_wait3A_606 = arith.constant 0 : i32
      %dma_wait3A_607 = arith.constant 0 : i32
      %dma_wait3A_608 = tpu.memref_slice %arg8[%dma_wait3A_604, %dma_wait3A_605, %dma_wait3A_606, %dma_wait3A_607] : memref<2x8x128x32xf32, #tpu.memory_space<vmem>> -> memref<1x1x128x32xf32, #tpu.memory_space<vmem>>
      %dma_wait3A_609 = tpu.memref_squeeze %dma_wait3A_608 : memref<1x1x128x32xf32, #tpu.memory_space<vmem>> -> memref<128x32xf32, #tpu.memory_space<vmem>>
      %dma_wait3A_610 = arith.constant 0 : i32
      %dma_wait3A_611 = tpu.memref_slice %arg7[%add3A_602, %dma_wait3A_610] : memref<400x128xi32, #tpu.memory_space<vmem>> -> memref<1x128xi32, #tpu.memory_space<vmem>>
      %dma_wait3A_612 = tpu.memref_squeeze %dma_wait3A_611 : memref<1x128xi32, #tpu.memory_space<vmem>> -> memref<128xi32, #tpu.memory_space<vmem>>
      %dma_wait3A_613 = arith.constant 0 : i32
      %dma_wait3A_614 = arith.constant 0 : i32
      %dma_wait3A_615 = tpu.memref_slice %arg3[%dma_wait3A_603, %dma_wait3A_613, %dma_wait3A_614] : memref<8x100000x32xf32, #tpu.memory_space<hbm>> -> memref<1x100000x32xf32, #tpu.memory_space<hbm>>
      %dma_wait3A_616 = tpu.memref_squeeze %dma_wait3A_615 : memref<1x100000x32xf32, #tpu.memory_space<hbm>> -> memref<100000x32xf32, #tpu.memory_space<hbm>>
      %dma_wait3A_617 = arith.constant 0 : i32
      %dma_wait3A_618 = arith.constant 0 : i32
      %dma_wait3A_619 = tpu.memref_slice %dma_wait3A_616[%dma_wait3A_617, %dma_wait3A_618] : memref<100000x32xf32, #tpu.memory_space<hbm>> -> memref<100000x32xf32, #tpu.memory_space<hbm>>
      tpu.wait_indirect_dma semaphore(%arg11 : memref<!tpu.dma_semaphore, #tpu.memory_space<semaphore_mem>>) src(%dma_wait3A_619 : memref<100000x32xf32, #tpu.memory_space<hbm>>) dst(%dma_wait3A_609 : memref<128x32xf32, #tpu.memory_space<vmem>>)
      %add3A_620 = arith.constant 250 : i32
      %add3A_621 = arith.addi %add3A_620, %add3A_524 : i32
      %dma_wait3A_622 = arith.constant 5 : i32
      %dma_wait3A_623 = arith.constant 1 : i32
      %dma_wait3A_624 = arith.constant 5 : i32
      %dma_wait3A_625 = arith.constant 0 : i32
      %dma_wait3A_626 = arith.constant 0 : i32
      %dma_wait3A_627 = tpu.memref_slice %arg8[%dma_wait3A_623, %dma_wait3A_624, %dma_wait3A_625, %dma_wait3A_626] : memref<2x8x128x32xf32, #tpu.memory_space<vmem>> -> memref<1x1x128x32xf32, #tpu.memory_space<vmem>>
      %dma_wait3A_628 = tpu.memref_squeeze %dma_wait3A_627 : memref<1x1x128x32xf32, #tpu.memory_space<vmem>> -> memref<128x32xf32, #tpu.memory_space<vmem>>
      %dma_wait3A_629 = arith.constant 0 : i32
      %dma_wait3A_630 = tpu.memref_slice %arg7[%add3A_621, %dma_wait3A_629] : memref<400x128xi32, #tpu.memory_space<vmem>> -> memref<1x128xi32, #tpu.memory_space<vmem>>
      %dma_wait3A_631 = tpu.memref_squeeze %dma_wait3A_630 : memref<1x128xi32, #tpu.memory_space<vmem>> -> memref<128xi32, #tpu.memory_space<vmem>>
      %dma_wait3A_632 = arith.constant 0 : i32
      %dma_wait3A_633 = arith.constant 0 : i32
      %dma_wait3A_634 = tpu.memref_slice %arg3[%dma_wait3A_622, %dma_wait3A_632, %dma_wait3A_633] : memref<8x100000x32xf32, #tpu.memory_space<hbm>> -> memref<1x100000x32xf32, #tpu.memory_space<hbm>>
      %dma_wait3A_635 = tpu.memref_squeeze %dma_wait3A_634 : memref<1x100000x32xf32, #tpu.memory_space<hbm>> -> memref<100000x32xf32, #tpu.memory_space<hbm>>
      %dma_wait3A_636 = arith.constant 0 : i32
      %dma_wait3A_637 = arith.constant 0 : i32
      %dma_wait3A_638 = tpu.memref_slice %dma_wait3A_635[%dma_wait3A_636, %dma_wait3A_637] : memref<100000x32xf32, #tpu.memory_space<hbm>> -> memref<100000x32xf32, #tpu.memory_space<hbm>>
      tpu.wait_indirect_dma semaphore(%arg11 : memref<!tpu.dma_semaphore, #tpu.memory_space<semaphore_mem>>) src(%dma_wait3A_638 : memref<100000x32xf32, #tpu.memory_space<hbm>>) dst(%dma_wait3A_628 : memref<128x32xf32, #tpu.memory_space<vmem>>)
      %add3A_639 = arith.constant 300 : i32
      %add3A_640 = arith.addi %add3A_639, %add3A_524 : i32
      %dma_wait3A_641 = arith.constant 6 : i32
      %dma_wait3A_642 = arith.constant 1 : i32
      %dma_wait3A_643 = arith.constant 6 : i32
      %dma_wait3A_644 = arith.constant 0 : i32
      %dma_wait3A_645 = arith.constant 0 : i32
      %dma_wait3A_646 = tpu.memref_slice %arg8[%dma_wait3A_642, %dma_wait3A_643, %dma_wait3A_644, %dma_wait3A_645] : memref<2x8x128x32xf32, #tpu.memory_space<vmem>> -> memref<1x1x128x32xf32, #tpu.memory_space<vmem>>
      %dma_wait3A_647 = tpu.memref_squeeze %dma_wait3A_646 : memref<1x1x128x32xf32, #tpu.memory_space<vmem>> -> memref<128x32xf32, #tpu.memory_space<vmem>>
      %dma_wait3A_648 = arith.constant 0 : i32
      %dma_wait3A_649 = tpu.memref_slice %arg7[%add3A_640, %dma_wait3A_648] : memref<400x128xi32, #tpu.memory_space<vmem>> -> memref<1x128xi32, #tpu.memory_space<vmem>>
      %dma_wait3A_650 = tpu.memref_squeeze %dma_wait3A_649 : memref<1x128xi32, #tpu.memory_space<vmem>> -> memref<128xi32, #tpu.memory_space<vmem>>
      %dma_wait3A_651 = arith.constant 0 : i32
      %dma_wait3A_652 = arith.constant 0 : i32
      %dma_wait3A_653 = tpu.memref_slice %arg3[%dma_wait3A_641, %dma_wait3A_651, %dma_wait3A_652] : memref<8x100000x32xf32, #tpu.memory_space<hbm>> -> memref<1x100000x32xf32, #tpu.memory_space<hbm>>
      %dma_wait3A_654 = tpu.memref_squeeze %dma_wait3A_653 : memref<1x100000x32xf32, #tpu.memory_space<hbm>> -> memref<100000x32xf32, #tpu.memory_space<hbm>>
      %dma_wait3A_655 = arith.constant 0 : i32
      %dma_wait3A_656 = arith.constant 0 : i32
      %dma_wait3A_657 = tpu.memref_slice %dma_wait3A_654[%dma_wait3A_655, %dma_wait3A_656] : memref<100000x32xf32, #tpu.memory_space<hbm>> -> memref<100000x32xf32, #tpu.memory_space<hbm>>
      tpu.wait_indirect_dma semaphore(%arg11 : memref<!tpu.dma_semaphore, #tpu.memory_space<semaphore_mem>>) src(%dma_wait3A_657 : memref<100000x32xf32, #tpu.memory_space<hbm>>) dst(%dma_wait3A_647 : memref<128x32xf32, #tpu.memory_space<vmem>>)
      %add3A_658 = arith.constant 350 : i32
      %add3A_659 = arith.addi %add3A_658, %add3A_524 : i32
      %dma_wait3A_660 = arith.constant 7 : i32
      %dma_wait3A_661 = arith.constant 1 : i32
      %dma_wait3A_662 = arith.constant 7 : i32
      %dma_wait3A_663 = arith.constant 0 : i32
      %dma_wait3A_664 = arith.constant 0 : i32
      %dma_wait3A_665 = tpu.memref_slice %arg8[%dma_wait3A_661, %dma_wait3A_662, %dma_wait3A_663, %dma_wait3A_664] : memref<2x8x128x32xf32, #tpu.memory_space<vmem>> -> memref<1x1x128x32xf32, #tpu.memory_space<vmem>>
      %dma_wait3A_666 = tpu.memref_squeeze %dma_wait3A_665 : memref<1x1x128x32xf32, #tpu.memory_space<vmem>> -> memref<128x32xf32, #tpu.memory_space<vmem>>
      %dma_wait3A_667 = arith.constant 0 : i32
      %dma_wait3A_668 = tpu.memref_slice %arg7[%add3A_659, %dma_wait3A_667] : memref<400x128xi32, #tpu.memory_space<vmem>> -> memref<1x128xi32, #tpu.memory_space<vmem>>
      %dma_wait3A_669 = tpu.memref_squeeze %dma_wait3A_668 : memref<1x128xi32, #tpu.memory_space<vmem>> -> memref<128xi32, #tpu.memory_space<vmem>>
      %dma_wait3A_670 = arith.constant 0 : i32
      %dma_wait3A_671 = arith.constant 0 : i32
      %dma_wait3A_672 = tpu.memref_slice %arg3[%dma_wait3A_660, %dma_wait3A_670, %dma_wait3A_671] : memref<8x100000x32xf32, #tpu.memory_space<hbm>> -> memref<1x100000x32xf32, #tpu.memory_space<hbm>>
      %dma_wait3A_673 = tpu.memref_squeeze %dma_wait3A_672 : memref<1x100000x32xf32, #tpu.memory_space<hbm>> -> memref<100000x32xf32, #tpu.memory_space<hbm>>
      %dma_wait3A_674 = arith.constant 0 : i32
      %dma_wait3A_675 = arith.constant 0 : i32
      %dma_wait3A_676 = tpu.memref_slice %dma_wait3A_673[%dma_wait3A_674, %dma_wait3A_675] : memref<100000x32xf32, #tpu.memory_space<hbm>> -> memref<100000x32xf32, #tpu.memory_space<hbm>>
      tpu.wait_indirect_dma semaphore(%arg11 : memref<!tpu.dma_semaphore, #tpu.memory_space<semaphore_mem>>) src(%dma_wait3A_676 : memref<100000x32xf32, #tpu.memory_space<hbm>>) dst(%dma_wait3A_666 : memref<128x32xf32, #tpu.memory_space<vmem>>)
      %add3A_677 = arith.constant 1 : i32
      %add3A_678 = arith.addi %mul3A_188, %add3A_677 : i32
      %eq3A_679 = arith.constant 0 : i32
      %eq3A_680 = arith.cmpi eq, %scan3A_186, %eq3A_679 : i32
      %not3A_681 = arith.constant true
      %not3A_682 = arith.xori %eq3A_680, %not3A_681 : i1
      %convert_element_type3A_683 = arith.extui %not3A_682 : i1 to i32
      %cond3A_684 = arith.constant 0 : i32
      %cond3A_685 = arith.cmpi ne, %convert_element_type3A_683, %cond3A_684 : i32
      scf.if %cond3A_685 {
        %dma_wait3A_707 = arith.constant 1 : i32
        %dma_wait3A_708 = arith.constant 0 : i32
        %dma_wait3A_709 = arith.constant 0 : i32
        %dma_wait3A_710 = arith.constant 0 : i32
        %dma_wait3A_711 = tpu.memref_slice %arg9[%dma_wait3A_707, %dma_wait3A_709, %dma_wait3A_710] : memref<2x32x128xf32, #tpu.memory_space<vmem>> -> memref<1x32x128xf32, #tpu.memory_space<vmem>>
        %dma_wait3A_712 = tpu.memref_squeeze %dma_wait3A_711 : memref<1x32x128xf32, #tpu.memory_space<vmem>> -> memref<32x128xf32, #tpu.memory_space<vmem>>
        %dma_wait3A_713 = arith.constant 0 : i32
        %dma_wait3A_714 = arith.constant 0 : i32
        %dma_wait3A_715 = tpu.memref_slice %arg5[%dma_wait3A_708, %dma_wait3A_713, %dma_wait3A_714] : memref<50x32x4096xf32, #tpu.memory_space<hbm>> -> memref<1x32x128xf32, #tpu.memory_space<hbm>>
        %dma_wait3A_716 = tpu.memref_squeeze %dma_wait3A_715 : memref<1x32x128xf32, #tpu.memory_space<hbm>> -> memref<32x128xf32, #tpu.memory_space<hbm>>
        %dma_wait3A_717 = arith.constant 0 : i32
        %dma_wait3A_718 = arith.constant 0 : i32
        %dma_wait3A_719 = tpu.memref_slice %arg5[%dma_wait3A_708, %dma_wait3A_717, %dma_wait3A_718] : memref<50x32x4096xf32, #tpu.memory_space<hbm>> -> memref<1x32x128xf32, #tpu.memory_space<hbm>>
        %dma_wait3A_720 = tpu.memref_squeeze %dma_wait3A_719 : memref<1x32x128xf32, #tpu.memory_space<hbm>> -> memref<32x128xf32, #tpu.memory_space<hbm>>
        %dma_wait3A_721 = arith.constant 0 : i32
        %dma_wait3A_722 = arith.constant 0 : i32
        %dma_wait3A_723 = tpu.memref_slice %arg9[%dma_wait3A_707, %dma_wait3A_721, %dma_wait3A_722] : memref<2x32x128xf32, #tpu.memory_space<vmem>> -> memref<1x32x128xf32, #tpu.memory_space<vmem>>
        %dma_wait3A_724 = tpu.memref_squeeze %dma_wait3A_723 : memref<1x32x128xf32, #tpu.memory_space<vmem>> -> memref<32x128xf32, #tpu.memory_space<vmem>>
        tpu.wait_dma2 semaphore(%arg13 : memref<!tpu.dma_semaphore, #tpu.memory_space<semaphore_mem>>) src(%dma_wait3A_724 : memref<32x128xf32, #tpu.memory_space<vmem>>) dst(%dma_wait3A_720 : memref<32x128xf32, #tpu.memory_space<hbm>>)
      } else {
      }
      %scan3A_686 = arith.constant 0 : i32
      %scan3A_687 = arith.constant 0 : i32
      %scan3A_688 = arith.constant 128 : i32
      %scan3A_689 = arith.addi %scan3A_687, %scan3A_688 : i32
      %scan3A_690 = arith.constant 1 : i32
      scf.for %scan3A_707 = %scan3A_687 to %scan3A_689 step %scan3A_690  : i32 {
        %get3A = arith.constant 1 : i32
        %get3A_708 = arith.constant 0 : i32
        %get3A_709 = arith.index_cast %get3A : i32 to index
        %get3A_710 = arith.index_cast %get3A_708 : i32 to index
        %get3A_711 = arith.index_cast %scan3A_707 : i32 to index
        %get3A_712 = arith.constant 0 : index
        %get3A_713 = tpu.vector_load %arg8[%get3A_709, %get3A_710, %get3A_711, %get3A_712] {strides = array<i32>} : memref<2x8x128x32xf32, #tpu.memory_space<vmem>>, vector<16xf32>,
        %get3A_714 = arith.constant 0 : i32
        %get3A_715 = arith.index_cast %get3A_714 : i32 to index
        %get3A_716 = arith.constant 0 : index
        %get3A_717 = tpu.vector_load %arg6[%get3A_715, %get3A_716] {strides = array<i32>} : memref<8x16xf32, #tpu.memory_space<vmem>>, vector<16xf32>,
        %mul3A_718 = arith.mulf %get3A_713, %get3A_717 : vector<16xf32>
        %get3A_719 = arith.constant 1 : i32
        %get3A_720 = arith.constant 0 : i32
        %get3A_721 = arith.index_cast %get3A_719 : i32 to index
        %get3A_722 = arith.index_cast %get3A_720 : i32 to index
        %get3A_723 = arith.index_cast %scan3A_707 : i32 to index
        %get3A_724 = arith.constant 16 : index
        %get3A_725 = tpu.vector_load %arg8[%get3A_721, %get3A_722, %get3A_723, %get3A_724] {strides = array<i32>} : memref<2x8x128x32xf32, #tpu.memory_space<vmem>>, vector<16xf32>,
        %get3A_726 = arith.constant 0 : i32
        %get3A_727 = arith.index_cast %get3A_726 : i32 to index
        %get3A_728 = arith.constant 0 : index
        %get3A_729 = tpu.vector_load %arg6[%get3A_727, %get3A_728] {strides = array<i32>} : memref<8x16xf32, #tpu.memory_space<vmem>>, vector<16xf32>,
        %mul3A_730 = arith.mulf %get3A_725, %get3A_729 : vector<16xf32>
        %get3A_731 = arith.constant 1 : i32
        %get3A_732 = arith.constant 1 : i32
        %get3A_733 = arith.index_cast %get3A_731 : i32 to index
        %get3A_734 = arith.index_cast %get3A_732 : i32 to index
        %get3A_735 = arith.index_cast %scan3A_707 : i32 to index
        %get3A_736 = arith.constant 0 : index
        %get3A_737 = tpu.vector_load %arg8[%get3A_733, %get3A_734, %get3A_735, %get3A_736] {strides = array<i32>} : memref<2x8x128x32xf32, #tpu.memory_space<vmem>>, vector<16xf32>,
        %get3A_738 = arith.constant 1 : i32
        %get3A_739 = arith.index_cast %get3A_738 : i32 to index
        %get3A_740 = arith.constant 0 : index
        %get3A_741 = tpu.vector_load %arg6[%get3A_739, %get3A_740] {strides = array<i32>} : memref<8x16xf32, #tpu.memory_space<vmem>>, vector<16xf32>,
        %mul3A_742 = arith.mulf %get3A_737, %get3A_741 : vector<16xf32>
        %add3A_743 = arith.addf %mul3A_718, %mul3A_742 : vector<16xf32>
        %get3A_744 = arith.constant 1 : i32
        %get3A_745 = arith.constant 1 : i32
        %get3A_746 = arith.index_cast %get3A_744 : i32 to index
        %get3A_747 = arith.index_cast %get3A_745 : i32 to index
        %get3A_748 = arith.index_cast %scan3A_707 : i32 to index
        %get3A_749 = arith.constant 16 : index
        %get3A_750 = tpu.vector_load %arg8[%get3A_746, %get3A_747, %get3A_748, %get3A_749] {strides = array<i32>} : memref<2x8x128x32xf32, #tpu.memory_space<vmem>>, vector<16xf32>,
        %get3A_751 = arith.constant 1 : i32
        %get3A_752 = arith.index_cast %get3A_751 : i32 to index
        %get3A_753 = arith.constant 0 : index
        %get3A_754 = tpu.vector_load %arg6[%get3A_752, %get3A_753] {strides = array<i32>} : memref<8x16xf32, #tpu.memory_space<vmem>>, vector<16xf32>,
        %mul3A_755 = arith.mulf %get3A_750, %get3A_754 : vector<16xf32>
        %add3A_756 = arith.addf %mul3A_730, %mul3A_755 : vector<16xf32>
        %get3A_757 = arith.constant 1 : i32
        %get3A_758 = arith.constant 2 : i32
        %get3A_759 = arith.index_cast %get3A_757 : i32 to index
        %get3A_760 = arith.index_cast %get3A_758 : i32 to index
        %get3A_761 = arith.index_cast %scan3A_707 : i32 to index
        %get3A_762 = arith.constant 0 : index
        %get3A_763 = tpu.vector_load %arg8[%get3A_759, %get3A_760, %get3A_761, %get3A_762] {strides = array<i32>} : memref<2x8x128x32xf32, #tpu.memory_space<vmem>>, vector<16xf32>,
        %get3A_764 = arith.constant 2 : i32
        %get3A_765 = arith.index_cast %get3A_764 : i32 to index
        %get3A_766 = arith.constant 0 : index
        %get3A_767 = tpu.vector_load %arg6[%get3A_765, %get3A_766] {strides = array<i32>} : memref<8x16xf32, #tpu.memory_space<vmem>>, vector<16xf32>,
        %mul3A_768 = arith.mulf %get3A_763, %get3A_767 : vector<16xf32>
        %add3A_769 = arith.addf %add3A_743, %mul3A_768 : vector<16xf32>
        %get3A_770 = arith.constant 1 : i32
        %get3A_771 = arith.constant 2 : i32
        %get3A_772 = arith.index_cast %get3A_770 : i32 to index
        %get3A_773 = arith.index_cast %get3A_771 : i32 to index
        %get3A_774 = arith.index_cast %scan3A_707 : i32 to index
        %get3A_775 = arith.constant 16 : index
        %get3A_776 = tpu.vector_load %arg8[%get3A_772, %get3A_773, %get3A_774, %get3A_775] {strides = array<i32>} : memref<2x8x128x32xf32, #tpu.memory_space<vmem>>, vector<16xf32>,
        %get3A_777 = arith.constant 2 : i32
        %get3A_778 = arith.index_cast %get3A_777 : i32 to index
        %get3A_779 = arith.constant 0 : index
        %get3A_780 = tpu.vector_load %arg6[%get3A_778, %get3A_779] {strides = array<i32>} : memref<8x16xf32, #tpu.memory_space<vmem>>, vector<16xf32>,
        %mul3A_781 = arith.mulf %get3A_776, %get3A_780 : vector<16xf32>
        %add3A_782 = arith.addf %add3A_756, %mul3A_781 : vector<16xf32>
        %get3A_783 = arith.constant 1 : i32
        %get3A_784 = arith.constant 3 : i32
        %get3A_785 = arith.index_cast %get3A_783 : i32 to index
        %get3A_786 = arith.index_cast %get3A_784 : i32 to index
        %get3A_787 = arith.index_cast %scan3A_707 : i32 to index
        %get3A_788 = arith.constant 0 : index
        %get3A_789 = tpu.vector_load %arg8[%get3A_785, %get3A_786, %get3A_787, %get3A_788] {strides = array<i32>} : memref<2x8x128x32xf32, #tpu.memory_space<vmem>>, vector<16xf32>,
        %get3A_790 = arith.constant 3 : i32
        %get3A_791 = arith.index_cast %get3A_790 : i32 to index
        %get3A_792 = arith.constant 0 : index
        %get3A_793 = tpu.vector_load %arg6[%get3A_791, %get3A_792] {strides = array<i32>} : memref<8x16xf32, #tpu.memory_space<vmem>>, vector<16xf32>,
        %mul3A_794 = arith.mulf %get3A_789, %get3A_793 : vector<16xf32>
        %add3A_795 = arith.addf %add3A_769, %mul3A_794 : vector<16xf32>
        %get3A_796 = arith.constant 1 : i32
        %get3A_797 = arith.constant 3 : i32
        %get3A_798 = arith.index_cast %get3A_796 : i32 to index
        %get3A_799 = arith.index_cast %get3A_797 : i32 to index
        %get3A_800 = arith.index_cast %scan3A_707 : i32 to index
        %get3A_801 = arith.constant 16 : index
        %get3A_802 = tpu.vector_load %arg8[%get3A_798, %get3A_799, %get3A_800, %get3A_801] {strides = array<i32>} : memref<2x8x128x32xf32, #tpu.memory_space<vmem>>, vector<16xf32>,
        %get3A_803 = arith.constant 3 : i32
        %get3A_804 = arith.index_cast %get3A_803 : i32 to index
        %get3A_805 = arith.constant 0 : index
        %get3A_806 = tpu.vector_load %arg6[%get3A_804, %get3A_805] {strides = array<i32>} : memref<8x16xf32, #tpu.memory_space<vmem>>, vector<16xf32>,
        %mul3A_807 = arith.mulf %get3A_802, %get3A_806 : vector<16xf32>
        %add3A_808 = arith.addf %add3A_782, %mul3A_807 : vector<16xf32>
        %get3A_809 = arith.constant 1 : i32
        %get3A_810 = arith.constant 4 : i32
        %get3A_811 = arith.index_cast %get3A_809 : i32 to index
        %get3A_812 = arith.index_cast %get3A_810 : i32 to index
        %get3A_813 = arith.index_cast %scan3A_707 : i32 to index
        %get3A_814 = arith.constant 0 : index
        %get3A_815 = tpu.vector_load %arg8[%get3A_811, %get3A_812, %get3A_813, %get3A_814] {strides = array<i32>} : memref<2x8x128x32xf32, #tpu.memory_space<vmem>>, vector<16xf32>,
        %get3A_816 = arith.constant 4 : i32
        %get3A_817 = arith.index_cast %get3A_816 : i32 to index
        %get3A_818 = arith.constant 0 : index
        %get3A_819 = tpu.vector_load %arg6[%get3A_817, %get3A_818] {strides = array<i32>} : memref<8x16xf32, #tpu.memory_space<vmem>>, vector<16xf32>,
        %mul3A_820 = arith.mulf %get3A_815, %get3A_819 : vector<16xf32>
        %add3A_821 = arith.addf %add3A_795, %mul3A_820 : vector<16xf32>
        %get3A_822 = arith.constant 1 : i32
        %get3A_823 = arith.constant 4 : i32
        %get3A_824 = arith.index_cast %get3A_822 : i32 to index
        %get3A_825 = arith.index_cast %get3A_823 : i32 to index
        %get3A_826 = arith.index_cast %scan3A_707 : i32 to index
        %get3A_827 = arith.constant 16 : index
        %get3A_828 = tpu.vector_load %arg8[%get3A_824, %get3A_825, %get3A_826, %get3A_827] {strides = array<i32>} : memref<2x8x128x32xf32, #tpu.memory_space<vmem>>, vector<16xf32>,
        %get3A_829 = arith.constant 4 : i32
        %get3A_830 = arith.index_cast %get3A_829 : i32 to index
        %get3A_831 = arith.constant 0 : index
        %get3A_832 = tpu.vector_load %arg6[%get3A_830, %get3A_831] {strides = array<i32>} : memref<8x16xf32, #tpu.memory_space<vmem>>, vector<16xf32>,
        %mul3A_833 = arith.mulf %get3A_828, %get3A_832 : vector<16xf32>
        %add3A_834 = arith.addf %add3A_808, %mul3A_833 : vector<16xf32>
        %get3A_835 = arith.constant 1 : i32
        %get3A_836 = arith.constant 5 : i32
        %get3A_837 = arith.index_cast %get3A_835 : i32 to index
        %get3A_838 = arith.index_cast %get3A_836 : i32 to index
        %get3A_839 = arith.index_cast %scan3A_707 : i32 to index
        %get3A_840 = arith.constant 0 : index
        %get3A_841 = tpu.vector_load %arg8[%get3A_837, %get3A_838, %get3A_839, %get3A_840] {strides = array<i32>} : memref<2x8x128x32xf32, #tpu.memory_space<vmem>>, vector<16xf32>,
        %get3A_842 = arith.constant 5 : i32
        %get3A_843 = arith.index_cast %get3A_842 : i32 to index
        %get3A_844 = arith.constant 0 : index
        %get3A_845 = tpu.vector_load %arg6[%get3A_843, %get3A_844] {strides = array<i32>} : memref<8x16xf32, #tpu.memory_space<vmem>>, vector<16xf32>,
        %mul3A_846 = arith.mulf %get3A_841, %get3A_845 : vector<16xf32>
        %add3A_847 = arith.addf %add3A_821, %mul3A_846 : vector<16xf32>
        %get3A_848 = arith.constant 1 : i32
        %get3A_849 = arith.constant 5 : i32
        %get3A_850 = arith.index_cast %get3A_848 : i32 to index
        %get3A_851 = arith.index_cast %get3A_849 : i32 to index
        %get3A_852 = arith.index_cast %scan3A_707 : i32 to index
        %get3A_853 = arith.constant 16 : index
        %get3A_854 = tpu.vector_load %arg8[%get3A_850, %get3A_851, %get3A_852, %get3A_853] {strides = array<i32>} : memref<2x8x128x32xf32, #tpu.memory_space<vmem>>, vector<16xf32>,
        %get3A_855 = arith.constant 5 : i32
        %get3A_856 = arith.index_cast %get3A_855 : i32 to index
        %get3A_857 = arith.constant 0 : index
        %get3A_858 = tpu.vector_load %arg6[%get3A_856, %get3A_857] {strides = array<i32>} : memref<8x16xf32, #tpu.memory_space<vmem>>, vector<16xf32>,
        %mul3A_859 = arith.mulf %get3A_854, %get3A_858 : vector<16xf32>
        %add3A_860 = arith.addf %add3A_834, %mul3A_859 : vector<16xf32>
        %get3A_861 = arith.constant 1 : i32
        %get3A_862 = arith.constant 6 : i32
        %get3A_863 = arith.index_cast %get3A_861 : i32 to index
        %get3A_864 = arith.index_cast %get3A_862 : i32 to index
        %get3A_865 = arith.index_cast %scan3A_707 : i32 to index
        %get3A_866 = arith.constant 0 : index
        %get3A_867 = tpu.vector_load %arg8[%get3A_863, %get3A_864, %get3A_865, %get3A_866] {strides = array<i32>} : memref<2x8x128x32xf32, #tpu.memory_space<vmem>>, vector<16xf32>,
        %get3A_868 = arith.constant 6 : i32
        %get3A_869 = arith.index_cast %get3A_868 : i32 to index
        %get3A_870 = arith.constant 0 : index
        %get3A_871 = tpu.vector_load %arg6[%get3A_869, %get3A_870] {strides = array<i32>} : memref<8x16xf32, #tpu.memory_space<vmem>>, vector<16xf32>,
        %mul3A_872 = arith.mulf %get3A_867, %get3A_871 : vector<16xf32>
        %add3A_873 = arith.addf %add3A_847, %mul3A_872 : vector<16xf32>
        %get3A_874 = arith.constant 1 : i32
        %get3A_875 = arith.constant 6 : i32
        %get3A_876 = arith.index_cast %get3A_874 : i32 to index
        %get3A_877 = arith.index_cast %get3A_875 : i32 to index
        %get3A_878 = arith.index_cast %scan3A_707 : i32 to index
        %get3A_879 = arith.constant 16 : index
        %get3A_880 = tpu.vector_load %arg8[%get3A_876, %get3A_877, %get3A_878, %get3A_879] {strides = array<i32>} : memref<2x8x128x32xf32, #tpu.memory_space<vmem>>, vector<16xf32>,
        %get3A_881 = arith.constant 6 : i32
        %get3A_882 = arith.index_cast %get3A_881 : i32 to index
        %get3A_883 = arith.constant 0 : index
        %get3A_884 = tpu.vector_load %arg6[%get3A_882, %get3A_883] {strides = array<i32>} : memref<8x16xf32, #tpu.memory_space<vmem>>, vector<16xf32>,
        %mul3A_885 = arith.mulf %get3A_880, %get3A_884 : vector<16xf32>
        %add3A_886 = arith.addf %add3A_860, %mul3A_885 : vector<16xf32>
        %get3A_887 = arith.constant 1 : i32
        %get3A_888 = arith.constant 7 : i32
        %get3A_889 = arith.index_cast %get3A_887 : i32 to index
        %get3A_890 = arith.index_cast %get3A_888 : i32 to index
        %get3A_891 = arith.index_cast %scan3A_707 : i32 to index
        %get3A_892 = arith.constant 0 : index
        %get3A_893 = tpu.vector_load %arg8[%get3A_889, %get3A_890, %get3A_891, %get3A_892] {strides = array<i32>} : memref<2x8x128x32xf32, #tpu.memory_space<vmem>>, vector<16xf32>,
        %get3A_894 = arith.constant 7 : i32
        %get3A_895 = arith.index_cast %get3A_894 : i32 to index
        %get3A_896 = arith.constant 0 : index
        %get3A_897 = tpu.vector_load %arg6[%get3A_895, %get3A_896] {strides = array<i32>} : memref<8x16xf32, #tpu.memory_space<vmem>>, vector<16xf32>,
        %mul3A_898 = arith.mulf %get3A_893, %get3A_897 : vector<16xf32>
        %add3A_899 = arith.addf %add3A_873, %mul3A_898 : vector<16xf32>
        %get3A_900 = arith.constant 1 : i32
        %get3A_901 = arith.constant 7 : i32
        %get3A_902 = arith.index_cast %get3A_900 : i32 to index
        %get3A_903 = arith.index_cast %get3A_901 : i32 to index
        %get3A_904 = arith.index_cast %scan3A_707 : i32 to index
        %get3A_905 = arith.constant 16 : index
        %get3A_906 = tpu.vector_load %arg8[%get3A_902, %get3A_903, %get3A_904, %get3A_905] {strides = array<i32>} : memref<2x8x128x32xf32, #tpu.memory_space<vmem>>, vector<16xf32>,
        %get3A_907 = arith.constant 7 : i32
        %get3A_908 = arith.index_cast %get3A_907 : i32 to index
        %get3A_909 = arith.constant 0 : index
        %get3A_910 = tpu.vector_load %arg6[%get3A_908, %get3A_909] {strides = array<i32>} : memref<8x16xf32, #tpu.memory_space<vmem>>, vector<16xf32>,
        %mul3A_911 = arith.mulf %get3A_906, %get3A_910 : vector<16xf32>
        %add3A_912 = arith.addf %add3A_886, %mul3A_911 : vector<16xf32>
        %broadcast_in_dim3A = arith.constant 0 : i32
        %broadcast_in_dim3A_913 = vector.broadcast %broadcast_in_dim3A : i32 to vector<16xi32>
        %add3A_914 = vector.broadcast %scan3A_707 : i32 to vector<16xi32>
        %add3A_915 = arith.addi %broadcast_in_dim3A_913, %add3A_914 : vector<16xi32>
        %scatter3A = arith.constant 1 : i32
        %scatter3A_916 = arith.constant 0 : i32
        %scatter3A_917 = arith.constant 0 : i32
        %scatter3A_918 = tpu.memref_slice %arg9[%scatter3A, %scatter3A_916, %scatter3A_917] : memref<2x32x128xf32, #tpu.memory_space<vmem>> -> memref<1x32x128xf32, #tpu.memory_space<vmem>>
        %scatter3A_919 = tpu.memref_squeeze %scatter3A_918 : memref<1x32x128xf32, #tpu.memory_space<vmem>> -> memref<32x128xf32, #tpu.memory_space<vmem>>
        tpu.vector_store_idx %scatter3A_919[%iota3A, %add3A_915], %add3A_899 : memref<32x128xf32, #tpu.memory_space<vmem>>[vector<16xi32>, vector<16xi32>], vector<16xf32>,
        %add3A_920 = arith.constant 16 : i32
        %add3A_921 = vector.broadcast %add3A_920 : i32 to vector<16xi32>
        %add3A_922 = arith.addi %iota3A, %add3A_921 : vector<16xi32>
        %scatter3A_923 = arith.constant 1 : i32
        %scatter3A_924 = arith.constant 0 : i32
        %scatter3A_925 = arith.constant 0 : i32
        %scatter3A_926 = tpu.memref_slice %arg9[%scatter3A_923, %scatter3A_924, %scatter3A_925] : memref<2x32x128xf32, #tpu.memory_space<vmem>> -> memref<1x32x128xf32, #tpu.memory_space<vmem>>
        %scatter3A_927 = tpu.memref_squeeze %scatter3A_926 : memref<1x32x128xf32, #tpu.memory_space<vmem>> -> memref<32x128xf32, #tpu.memory_space<vmem>>
        tpu.vector_store_idx %scatter3A_927[%add3A_922, %add3A_915], %add3A_912 : memref<32x128xf32, #tpu.memory_space<vmem>>[vector<16xi32>, vector<16xi32>], vector<16xf32>,
      }
      %scan3A_691 = arith.constant 128 : i32
      %dma_start3A_692 = arith.constant 1 : i32
      %dma_start3A_693 = arith.constant 0 : i32
      %dma_start3A_694 = arith.constant 0 : i32
      %dma_start3A_695 = tpu.memref_slice %arg9[%dma_start3A_692, %dma_start3A_693, %dma_start3A_694] : memref<2x32x128xf32, #tpu.memory_space<vmem>> -> memref<1x32x128xf32, #tpu.memory_space<vmem>>
      %dma_start3A_696 = tpu.memref_squeeze %dma_start3A_695 : memref<1x32x128xf32, #tpu.memory_space<vmem>> -> memref<32x128xf32, #tpu.memory_space<vmem>>
      %dma_start3A_697 = arith.constant 0 : i32
      %dma_start3A_698 = tpu.memref_slice %arg5[%add3A_678, %dma_start3A_697, %multiple_of3A] : memref<50x32x4096xf32, #tpu.memory_space<hbm>> -> memref<1x32x128xf32, #tpu.memory_space<hbm>>
      %dma_start3A_699 = tpu.memref_squeeze %dma_start3A_698 : memref<1x32x128xf32, #tpu.memory_space<hbm>> -> memref<32x128xf32, #tpu.memory_space<hbm>>
      %dma_start3A_700 = arith.constant 0 : i32
      %dma_start3A_701 = tpu.memref_slice %arg5[%add3A_678, %dma_start3A_700, %multiple_of3A] : memref<50x32x4096xf32, #tpu.memory_space<hbm>> -> memref<1x32x128xf32, #tpu.memory_space<hbm>>
      %dma_start3A_702 = tpu.memref_squeeze %dma_start3A_701 : memref<1x32x128xf32, #tpu.memory_space<hbm>> -> memref<32x128xf32, #tpu.memory_space<hbm>>
      %dma_start3A_703 = arith.constant 0 : i32
      %dma_start3A_704 = arith.constant 0 : i32
      %dma_start3A_705 = tpu.memref_slice %arg9[%dma_start3A_692, %dma_start3A_703, %dma_start3A_704] : memref<2x32x128xf32, #tpu.memory_space<vmem>> -> memref<1x32x128xf32, #tpu.memory_space<vmem>>
      %dma_start3A_706 = tpu.memref_squeeze %dma_start3A_705 : memref<1x32x128xf32, #tpu.memory_space<vmem>> -> memref<32x128xf32, #tpu.memory_space<vmem>>
      tpu.enqueue_dma source(%dma_start3A_706 : memref<32x128xf32, #tpu.memory_space<vmem>>) target(%dma_start3A_702 : memref<32x128xf32, #tpu.memory_space<hbm>>) target_semaphore(%arg13 : memref<!tpu.dma_semaphore, #tpu.memory_space<semaphore_mem>>)
    }
    %scan3A_150 = arith.constant 25 : i32
    %dma_wait3A = arith.constant 0 : i32
    %dma_wait3A_151 = arith.constant 0 : i32
    %dma_wait3A_152 = arith.constant 0 : i32
    %dma_wait3A_153 = arith.constant 0 : i32
    %dma_wait3A_154 = tpu.memref_slice %arg9[%dma_wait3A, %dma_wait3A_152, %dma_wait3A_153] : memref<2x32x128xf32, #tpu.memory_space<vmem>> -> memref<1x32x128xf32, #tpu.memory_space<vmem>>
    %dma_wait3A_155 = tpu.memref_squeeze %dma_wait3A_154 : memref<1x32x128xf32, #tpu.memory_space<vmem>> -> memref<32x128xf32, #tpu.memory_space<vmem>>
    %dma_wait3A_156 = arith.constant 0 : i32
    %dma_wait3A_157 = arith.constant 0 : i32
    %dma_wait3A_158 = tpu.memref_slice %arg5[%dma_wait3A_151, %dma_wait3A_156, %dma_wait3A_157] : memref<50x32x4096xf32, #tpu.memory_space<hbm>> -> memref<1x32x128xf32, #tpu.memory_space<hbm>>
    %dma_wait3A_159 = tpu.memref_squeeze %dma_wait3A_158 : memref<1x32x128xf32, #tpu.memory_space<hbm>> -> memref<32x128xf32, #tpu.memory_space<hbm>>
    %dma_wait3A_160 = arith.constant 0 : i32
    %dma_wait3A_161 = arith.constant 0 : i32
    %dma_wait3A_162 = tpu.memref_slice %arg5[%dma_wait3A_151, %dma_wait3A_160, %dma_wait3A_161] : memref<50x32x4096xf32, #tpu.memory_space<hbm>> -> memref<1x32x128xf32, #tpu.memory_space<hbm>>
    %dma_wait3A_163 = tpu.memref_squeeze %dma_wait3A_162 : memref<1x32x128xf32, #tpu.memory_space<hbm>> -> memref<32x128xf32, #tpu.memory_space<hbm>>
    %dma_wait3A_164 = arith.constant 0 : i32
    %dma_wait3A_165 = arith.constant 0 : i32
    %dma_wait3A_166 = tpu.memref_slice %arg9[%dma_wait3A, %dma_wait3A_164, %dma_wait3A_165] : memref<2x32x128xf32, #tpu.memory_space<vmem>> -> memref<1x32x128xf32, #tpu.memory_space<vmem>>
    %dma_wait3A_167 = tpu.memref_squeeze %dma_wait3A_166 : memref<1x32x128xf32, #tpu.memory_space<vmem>> -> memref<32x128xf32, #tpu.memory_space<vmem>>
    tpu.wait_dma2 semaphore(%arg12 : memref<!tpu.dma_semaphore, #tpu.memory_space<semaphore_mem>>) src(%dma_wait3A_167 : memref<32x128xf32, #tpu.memory_space<vmem>>) dst(%dma_wait3A_163 : memref<32x128xf32, #tpu.memory_space<hbm>>)
    %dma_wait3A_168 = arith.constant 1 : i32
    %dma_wait3A_169 = arith.constant 0 : i32
    %dma_wait3A_170 = arith.constant 0 : i32
    %dma_wait3A_171 = arith.constant 0 : i32
    %dma_wait3A_172 = tpu.memref_slice %arg9[%dma_wait3A_168, %dma_wait3A_170, %dma_wait3A_171] : memref<2x32x128xf32, #tpu.memory_space<vmem>> -> memref<1x32x128xf32, #tpu.memory_space<vmem>>
    %dma_wait3A_173 = tpu.memref_squeeze %dma_wait3A_172 : memref<1x32x128xf32, #tpu.memory_space<vmem>> -> memref<32x128xf32, #tpu.memory_space<vmem>>
    %dma_wait3A_174 = arith.constant 0 : i32
    %dma_wait3A_175 = arith.constant 0 : i32
    %dma_wait3A_176 = tpu.memref_slice %arg5[%dma_wait3A_169, %dma_wait3A_174, %dma_wait3A_175] : memref<50x32x4096xf32, #tpu.memory_space<hbm>> -> memref<1x32x128xf32, #tpu.memory_space<hbm>>
    %dma_wait3A_177 = tpu.memref_squeeze %dma_wait3A_176 : memref<1x32x128xf32, #tpu.memory_space<hbm>> -> memref<32x128xf32, #tpu.memory_space<hbm>>
    %dma_wait3A_178 = arith.constant 0 : i32
    %dma_wait3A_179 = arith.constant 0 : i32
    %dma_wait3A_180 = tpu.memref_slice %arg5[%dma_wait3A_169, %dma_wait3A_178, %dma_wait3A_179] : memref<50x32x4096xf32, #tpu.memory_space<hbm>> -> memref<1x32x128xf32, #tpu.memory_space<hbm>>
    %dma_wait3A_181 = tpu.memref_squeeze %dma_wait3A_180 : memref<1x32x128xf32, #tpu.memory_space<hbm>> -> memref<32x128xf32, #tpu.memory_space<hbm>>
    %dma_wait3A_182 = arith.constant 0 : i32
    %dma_wait3A_183 = arith.constant 0 : i32
    %dma_wait3A_184 = tpu.memref_slice %arg9[%dma_wait3A_168, %dma_wait3A_182, %dma_wait3A_183] : memref<2x32x128xf32, #tpu.memory_space<vmem>> -> memref<1x32x128xf32, #tpu.memory_space<vmem>>
    %dma_wait3A_185 = tpu.memref_squeeze %dma_wait3A_184 : memref<1x32x128xf32, #tpu.memory_space<vmem>> -> memref<32x128xf32, #tpu.memory_space<vmem>>
    tpu.wait_dma2 semaphore(%arg13 : memref<!tpu.dma_semaphore, #tpu.memory_space<semaphore_mem>>) src(%dma_wait3A_185 : memref<32x128xf32, #tpu.memory_space<vmem>>) dst(%dma_wait3A_181 : memref<32x128xf32, #tpu.memory_space<hbm>>)
    return
  }
}

</mosaic_0001>

<sc_bundles>
// kernel: kernel.3.cloned.1.call-start
scs
__scs_entry_jumppad:
0x0: {  	(pc) =	sbr.rel $0x88, $3  }
0x1: {  	(tag) =	ssettag $0x0;
	lr =	simm.s32 $0x1  }
0x2: {  	[smem:$0x3F9E] =	sst lr;
	_ =	strace $0xD0000000  }
0x3: {  	_ = 	snop  }
0x4: {  	_ = 	snop  }
0x5: {  	_ = 	snop  }
0x6: {  	_ = 	snop  }
0x7: {  	_ = 	snop  }
__scs_overlays_trampoline_lowered:
0x8: {  	[smem:$0x3FAD] =	sst s0  }
0x9: {  	[smem:$0x3FAE] =	sst s1  }
0xa: {  	[smem:$0x3FAF] =	sst s2  }
0xb: {  	[smem:$0x3FB0] =	sst s3  }
0xc: {  	[smem:$0x3FB1] =	sst s4  }
0xd: {  	[smem:$0x3FB2] =	sst s5  }
0xe: {  	[smem:$0x3FB3] =	sst s6  }
0xf: {  	[smem:$0x3FB4] =	sst s7  }
0x10: {  	[smem:$0x3FB5] =	sst s8  }
0x11: {  	[smem:$0x3FB6] =	sst s9;
	s0 =	simm.s32 @!p0 $0x0  }
0x12: {  	s1 =	sld [smem:$0x3F9C];
	s0 =	simm.s32 @p0 $0x1  }
0x13: {  	[smem:$0x3FB7] =	sst s0;
	s0 =	simm.s32 @!p1 $0x0  }
0x14: {  	s2 =	sld [smem:$0x3F9B];
	s0 =	simm.s32 @p1 $0x1  }
0x15: {  	[smem:$0x3FB8] =	sst s0;
	s0 =	simm.s32 @!p2 $0x0  }
0x16: {  	s3 =	sld [smem:$0x3FDB];
	s0 =	simm.s32 @p2 $0x1  }
0x17: {  	s4 =	simm.s32 $0x1BF5;
	[smem:$0x3FBA] =	sst s0  }
0x18: {  	s0 =	sld [smem:$0x3F9D];
	_ =	swait.ge [sflag:s4], $0x0  }
0x19: {  	s7 =	sld [smem:$0x3F9E]  }
0x1a: {  	s8 =	sadd.s32 $0xFFFFE003, lr  }
0x1b: {  	s9 =	sadd.s32 $0xFFFFFEF7, lr;
	s5 =	simm.s32 $0xFFFFFFFF;
	p2 =	slt.u32 s8, $0xFFFFF086  }
0x1c: {  	p1 =	slt.u32 s9, $0xF7A;
	s5 =	simm.s32 @!p2 $0x0  }
0x1d: {  	s5 =	simm.s32 @p1 $0x1;
	p0 =	seq.s32 s7, s2  }
0x1e: {  	s7 =	smul.u32 @!p0 $0xF7A, s2;
	p2 =	seq.s32 @!p0 s5, $0x0  }
0x1f: {  	s9 =	smul.u32 $0xF7A, s1;
	s8 =	simm.s32 @!p0 $0x1BF5;
	p2 =	por !p2, p0  }
0x20: {  	[sflag:s8] =	ssyncset.s32 @!p0 $0xFFFFF086;
	s6 =	sadd.s32 @!p0 s3, s7;
	s7 =	simm.s32 @!p0 $0x108  }
0x21: {  	s3 =	sadd.s32 s3, s9;
	s6 =	sadd.s32 @!p0 $0x88, s6;
	s7 =	simm.s32 @p2 $0x1082  }
0x22: {  	[simem:s7], [sflag:s8] =	dma.local @!p0 [hbm:s6], $0xF7A  }
0x23: {  	s9 =	sor.u32 $0xD0000000, s2;
	s6 =	simm.s32 $0x108;
	_ =	swait.ge @!p0 [sflag:s8], $0x0  }
0x24: {  	s3 =	sadd.s32 $0x88, s3;
	s6 =	simm.s32 @!p1 $0x1082;
	[sflag:s4] =	ssyncset.s32 $0xFFFFF086  }
0x25: {  	[simem:s6], [sflag:s4] =	dma.local [hbm:s3], $0xF7A  }
0x26: {  	[smem:$0x3F9E] =	sst s1;
	(tag) =	ssettag s2;
	_ =	strace s9  }
0x27: {  	s1 =	sld [smem:$0x3FAE]  }
0x28: {  	s2 =	sld [smem:$0x3FAF]  }
0x29: {  	s4 =	sld [smem:$0x3FB1]  }
0x2a: {  	p0 =	seq.s32 s5, $0x0;
	s5 =	sld [smem:$0x3FB2]  }
0x2b: {  	s6 =	sld [smem:$0x3FB3]  }
0x2c: {  	s7 =	sld [smem:$0x3FB4]  }
0x2d: {  	s3 =	simm.s32 $0x108;
	s8 =	sld [smem:$0x3FB5]  }
0x2e: {  	s3 =	simm.s32 @!p0 $0x1082;
	s9 =	sld [smem:$0x3FB6]  }
0x2f: {  	lr =	sadd.s32 s0, s3;
	s0 =	sld [smem:$0x3FAD]  }
0x30: {  	s3 =	sld [smem:$0x3FB0]  }
0x31: {  	[smem:$0x3FB9] =	sst s10  }
0x32: {  	s10 =	sld [smem:$0x3FB7];
	_ =	sdelay $0x3  }
0x33: {  	p0 =	seq.s32 s10, $0x1;
	s10 =	sld [smem:$0x3FB9];
	_ =	sdelay $0x3  }
0x34: {  	[smem:$0x3FB9] =	sst s10  }
0x35: {  	s10 =	sld [smem:$0x3FB8];
	_ =	sdelay $0x3  }
0x36: {  	p1 =	seq.s32 s10, $0x1;
	s10 =	sld [smem:$0x3FB9];
	_ =	sdelay $0x3  }
0x37: {  	[smem:$0x3FB9] =	sst s10  }
0x38: {  	s10 =	sld [smem:$0x3FBA]  }
0x39: {  	_ = 	snop;
	(pc) =	sbr.ind lr, $3  }
0x3a: {  	_ = 	snop  }
0x3b: {  	_ = 	snop  }
0x3c: {  	p2 =	seq.s32 s10, $0x1;
	s10 =	sld [smem:$0x3FB9]  }
0x3d: {  	_ =	shalt  }
0x3e: {  	_ =	shalt  }
0x3f: {  	_ =	shalt  }
0x40: {  	_ =	shalt  }
0x41: {  	_ =	shalt  }
0x42: {  	_ =	shalt  }
0x43: {  	_ =	shalt  }
0x44: {  	_ =	shalt  }
0x45: {  	_ =	shalt  }
0x46: {  	_ =	shalt  }
0x47: {  	_ =	shalt  }
0x48: {  	_ =	shalt  }
0x49: {  	_ =	shalt  }
0x4a: {  	_ =	shalt  }
0x4b: {  	_ =	shalt  }
0x4c: {  	_ =	shalt  }
0x4d: {  	_ =	shalt  }
0x4e: {  	_ =	shalt  }
0x4f: {  	_ =	shalt  }
0x50: {  	_ =	shalt  }
0x51: {  	_ =	shalt  }
0x52: {  	_ =	shalt  }
0x53: {  	_ =	shalt  }
0x54: {  	_ =	shalt  }
0x55: {  	_ =	shalt  }
0x56: {  	_ =	shalt  }
0x57: {  	_ =	shalt  }
0x58: {  	_ =	shalt  }
0x59: {  	_ =	shalt  }
0x5a: {  	_ =	shalt  }
0x5b: {  	_ =	shalt  }
0x5c: {  	_ =	shalt  }
0x5d: {  	_ =	shalt  }
0x5e: {  	_ =	shalt  }
0x5f: {  	_ =	shalt  }
0x60: {  	_ =	shalt  }
0x61: {  	_ =	shalt  }
0x62: {  	_ =	shalt  }
0x63: {  	_ =	shalt  }
0x64: {  	_ =	shalt  }
0x65: {  	_ =	shalt  }
0x66: {  	_ =	shalt  }
0x67: {  	_ =	shalt  }
0x68: {  	_ =	shalt  }
0x69: {  	_ =	shalt  }
0x6a: {  	_ =	shalt  }
0x6b: {  	_ =	shalt  }
0x6c: {  	_ =	shalt  }
0x6d: {  	_ =	shalt  }
0x6e: {  	_ =	shalt  }
0x6f: {  	_ =	shalt  }
0x70: {  	_ =	shalt  }
0x71: {  	_ =	shalt  }
0x72: {  	_ =	shalt  }
0x73: {  	_ =	shalt  }
0x74: {  	_ =	shalt  }
0x75: {  	_ =	shalt  }
0x76: {  	_ =	shalt  }
0x77: {  	_ =	shalt  }
0x78: {  	_ =	shalt  }
0x79: {  	_ =	shalt  }
0x7a: {  	_ =	shalt  }
0x7b: {  	_ =	shalt  }
0x7c: {  	_ =	shalt  }
0x7d: {  	_ =	shalt  }
0x7e: {  	_ =	shalt  }
0x7f: {  	_ =	shalt  }
0x80: {  	_ =	shalt  }
0x81: {  	_ =	shalt  }
0x82: {  	_ =	shalt  }
0x83: {  	_ =	shalt  }
0x84: {  	_ =	shalt  }
0x85: {  	_ =	shalt  }
0x86: {  	_ =	shalt  }
0x87: {  	_ =	shalt  }
.Lfunc_end0:
.L_simem_size_0:
called_computation_lowered:
.L_overlay_start_0:
0x88: {  	s2 =	sld [smem:$0x3FD9]  }
0x89: {  	s3 =	sld [smem:$0x3FFE];
	_ =	sdelay $0x1  }
0x8a: {  	s1 =	srdreg.scid  }
0x8b: {  	s0 =	sand.u32 $0x1, s1  }
0x8c: {  	s17 =	sshll.u32 s0, $0xA;
	s2 =	sadd.s32 s3, s2  }
0x8d: {  	s2 =	sadd.s32 s2, s17  }
0x8e: {  	[smem:$0x3FC5] =	sst s2  }
0x8f: {  	_ = 	snop  }
0x90: {  	s2 =	sld [smem:$0x3FD0];
	(tm) =	ssettm $0x1  }
0x91: {  	s18 =	sld [smem:$0x3FFB];
	_ =	sdelay $0x3  }
0x92: {  	_ =	strace s18  }
0x93: {  	s3 =	sld [smem:$0x3FFC];
	_ =	sdelay $0x3  }
0x94: {  	_ =	strace s3  }
0x95: {  	s3 =	sld [smem:$0x3FFD];
	_ =	sdelay $0x3  }
0x96: {  	_ =	strace s3  }
0x97: {  	_ =	strace $0x8FFFFFFF  }
0x98: {  	s19 =	sld [smem:$0x3FDB];
	_ =	sdelay $0x1  }
0x99: {  	s4 =	simm.s32 $_scs_section_size  }
0x9a: {  	s5 =	simm.s32 $_size__tile_overlayer_lowered;
	s6 =	simm.s32 $_tile_overlayer_lowered  }
0x9b: {  	s22 =	simm.s32 $0x1BFF;
	s21 =	sshll.u32 s6, $0x1;
	s3 =	sadd.s32 s4, s19  }
0x9c: {  	s7 =	simm.s32 $0x0;
	s20 =	sshll.u32 s5, $0x1;
	s5 =	sadd.s32 s21, s3  }
0x9d: {  	[timem:s7], [sflag:s22] =	dma.local [hbm:s5], s20  }
0x9e: {  	_ =	swait.ge [sflag:s22], s20  }
0x9f: {  	s4 =	ssub.s32 $0x0, s20;
	[sflag:s22] =	ssyncset.done $0x0  }
0xa0: {  	[sflag:s22] =	ssyncadd.s32 s4;
	_ =	sdelay $0x1  }
0xa1: {  	s23 =	simm.s32 $0x1B8B  }
0xa2: {  	_ =	swait.ge [sflag:s23], $0x1  }
0xa3: {  	[sflag:s23] =	ssyncset.done $0x0  }
0xa4: {  	s25 =	simm.s32 $0x1B8E;
	s24 =	sld [smem:$0x3FFE];
	[sflag:s23] =	ssyncadd.s32 $0xFFFFFFFF  }
0xa5: {  	s26 =	simm.s32 $execute0_lowered;
	[smem:$0x3FD2] =	sst s25  }
0xa6: {  	s5 =	sshll.u32 s26, $0x1;
	_ =	strace $0x80000046;
	[dreg:$0x1] =	wrdreg $0xFFFFFFFF  }
0xa7: {  	s28 =	simm.s32 $_size_execute0_lowered;
	s3 =	sadd.s32 s3, s5;
	[dreg:$0x0] =	wrdreg $0x0  }
0xa8: {  	s5 =	sshll.u32 s28, $0x1;
	[dreg:$0x2] =	wrdreg s3  }
0xa9: {  	[dreg:$0x3] =	wrdreg s5  }
0xaa: {  	[dreg:$0x4] =	wrdreg $0xC0  }
0xab: {  	_ =	task [dreg:s7], $0x5FFFF  }
0xac: {  	[dreg:$0x1] =	wrdreg $0xFFFFFFFF  }
0xad: {  	[dreg:$0x0] =	wrdreg $0x60  }
0xae: {  	[dreg:$0x2] =	wrdreg s2  }
0xaf: {  	[dreg:$0x3] =	wrdreg s24  }
0xb0: {  	[dreg:$0x4] =	wrdreg $0x9  }
0xb1: {  	_ =	task.clear_ibuf [dreg:s7], $0x5FFFF;
	_ =	strace $0x90000046  }
0xb2: {  	s29 =	simm.s32 $0x9;
	_ =	strace $0x80000048  }
0xb3: {  	_ =	swait.ge [sflag:s29], $0x1  }
0xb4: {  	[sflag:s29] =	ssyncadd.s32 $0xFFFFFFFF  }
0xb5: {  	_ =	strace $0x90000048  }
0xb6: {  	_ =	sfence  }
0xb7: {  	s30 =	sld [smem:$0x0];
	_ =	sdelay $0x2  }
0xb8: {  	s31 =	sshll.u32 s1, $0xD;
	s1 =	sshrl.u32 s1, $0x2  }
0xb9: {  	s3 =	sand.u32 $0x4000, s31;
	s1 =	sadd.s32 s1, s30  }
0xba: {  	s0 =	sor.u32 s3, s0;
	s1 =	sshll.u32 s1, $0x11  }
0xbb: {  	s0 =	sor.u32 s1, s0  }
0xbc: {  	s0 =	sadd.s32 $0x8F2B, s0  }
0xbd: {  	[sflag:s0] =	ssyncadd.remote.s32 $0x1  }
0xbe: {  	_ =	sfence.sel $0xFFFF  }
0xbf: {  	[dreg:$0x0] =	wrdreg $0xFFFFFFFF;
	(pc) =	sbr.abs _section_cstart, $3  }
0xc0: {  	[dreg:$0x1] =	wrdreg $0xFFFFFFFF  }
0xc1: {  	_ =	task.clear_ibuf [dreg:s7], $0x2FFFF;
	_ =	strace $0x9FFFFFFF  }
0xc2: {  	(tm) =	ssettm $0x7FFFFFFF  }
0xc3: {  	_ =	shalt  }
tec
execute0_lowered:
.L_overlay_start_1:
0x0: {  	(tag) =	ssettag $0x1  }
0x1: {  	s0 =	rddreg [dreg:$0x0]  }
0x2: {  	s1 =	rddreg [dreg:$0x1];
	s2 =	simm.s32 $0x0  }
0x3: {  	s24 =	srdreg.scid;
	s7 =	stileid.u32;
	s17 =	simm.s32 $0x1000  }
0x4: {  	s18 =	simm.s32 $0x80;
	s19 =	simm.s32 $0x14880;
	s20 =	simm.s32 $0x15880  }
0x5: {  	s21 =	simm.s32 $0x16880;
	s22 =	simm.s32 $0x17880;
	s23 =	simm.s32 $0x18880  }
0x6: {  	s28 =	simm.s32 $0x1;
	s29 =	simm.s32 $0x1C880;
	s30 =	simm.s32 $0x2  }
0x7: {  	s31 =	simm.s32 $0x1D880;
	[smem:$0x7FF] =	sst s2;
	s3 =	sadd.s32 $0xC35800, s1  }
0x8: {  	s4 =	sadd.s32 $0x800, s1;
	s5 =	sadd.s32 $0xA00, s1;
	s8 =	sadd.s32 $0xCF8D00, s1  }
0x9: {  	s2 =	sand.u32 $0x1, s24;
	s9 =	sadd.s32 $0xD5A780, s1;
	s11 =	sadd.s32 $0xDBC200, s1  }
0xa: {  	s7 =	sshll.u32 s7, $0x8;
	s12 =	sadd.s32 $0xE1DC80, s1;
	s13 =	sadd.s32 $0xE7F700, s1  }
0xb: {  	s14 =	sadd.s32 $0xEE1180, s1;
	s24 =	simm.s32 $0x19880;
	s25 =	ssub.s32 $0x2, s2  }
0xc: {  	_ =	strace $0x80000047;
	s2 =	sshll.u32 s2, $0x7;
	s6 =	sshrl.u32 s25, $0x1  }
0xd: {  	v0 =	vlaneseq.u32;
	[dreg:$0x3] =	wrdreg s4;
	s4 =	ssub.s32 s25, s6;
	s6 =	sor.u32 s2, s7  }
0xe: {  	v0 =	vmul.u32 $0x80, v0;
	s7 =	sadd.s32 $0xC97280, s1;
	s2 =	sshrl.u32 s6, $0x3;
	s26 =	smax.u32 s4, $0x1  }
0xf: {  	s25 =	simm.s32 $0x1A880;
	s0 =	sadd.s32 s0, s2;
	[dreg:$0x5] =	wrdreg s26  }
0x10: {  	v1 =	vor.u32 $0x800, v0;
	s1 =	simm.s32 $0x0;
	s26 =	simm.s32 $0x1B880;
	[dreg:$0x4] =	wrdreg s0  }
.LBB2_1:
0x11: {  	s0 =	simm.s32 $0x0;
	s2 =	rddreg [dreg:$0x3];
	s16 =	simm.s32 $0x5  }
0x12: {  	[tilespmem:s0], [sflag:$0x5] =	stream.linear.gather [hbm4b:s2+s0], $0x80, $0x38;
	[tilespmem:$0x1E880] =	vst v63  }
0x13: {  	_ =	swait.ge [sflag:s16], $0x80  }
0x14: {  	[sflag:s16] =	ssyncset.done $0x0  }
0x15: {  	s4 =	rddreg [dreg:$0x4];
	[sflag:s16] =	ssyncadd.s32 $0xFFFFFF80  }
0x16: {  	[tilespmem:s18], [sflag:$0x5] =	stream.strided.gather [hbm4b:s4+s18], $0xC800, s17, s18, $0x38;
	[tilespmem:$0x1E880] =	vst v63  }
0x17: {  	_ =	swait.ge [sflag:s16], $0xC800  }
0x18: {  	[sflag:s16] =	ssyncset.done $0x0  }
0x19: {  	s10 =	simm.s32 $0xC880;
	[sflag:s16] =	ssyncadd.s32 $0xFFFF3800  }
0x1a: {  	[tilespmem:s10], [sflag:$0x1] =	stream.indirect.gather [hbm4b:s3+s18], $0x20, s18, s18, $0xb8;
	[tilespmem:$0x1E880] =	vst v63  }
0x1b: {  	s15 =	simm.s32 $0x1980;
	s16 =	simm.s32 $0xD880  }
0x1c: {  	[tilespmem:s16], [sflag:$0x1] =	stream.indirect.gather [hbm4b:s7+s18], $0x20, s15, s18, $0xb8;
	[tilespmem:$0x1E880] =	vst v63  }
0x1d: {  	s4 =	simm.s32 $0x3280;
	s10 =	simm.s32 $0xE880  }
0x1e: {  	[tilespmem:s10], [sflag:$0x1] =	stream.indirect.gather [hbm4b:s8+s18], $0x20, s4, s18, $0xb8;
	[tilespmem:$0x1E880] =	vst v63  }
0x1f: {  	s15 =	simm.s32 $0x4B80;
	s16 =	simm.s32 $0xF880  }
0x20: {  	[tilespmem:s16], [sflag:$0x1] =	stream.indirect.gather [hbm4b:s9+s18], $0x20, s15, s18, $0xb8;
	[tilespmem:$0x1E880] =	vst v63  }
0x21: {  	s4 =	simm.s32 $0x6480;
	s10 =	simm.s32 $0x10880  }
0x22: {  	[tilespmem:s10], [sflag:$0x1] =	stream.indirect.gather [hbm4b:s11+s18], $0x20, s4, s18, $0xb8;
	[tilespmem:$0x1E880] =	vst v63  }
0x23: {  	s15 =	simm.s32 $0x7D80;
	s16 =	simm.s32 $0x11880  }
0x24: {  	[tilespmem:s16], [sflag:$0x1] =	stream.indirect.gather [hbm4b:s12+s18], $0x20, s15, s18, $0xb8;
	[tilespmem:$0x1E880] =	vst v63  }
0x25: {  	s4 =	simm.s32 $0x9680;
	s10 =	simm.s32 $0x12880  }
0x26: {  	[tilespmem:s10], [sflag:$0x1] =	stream.indirect.gather [hbm4b:s13+s18], $0x20, s4, s18, $0xb8;
	[tilespmem:$0x1E880] =	vst v63  }
0x27: {  	s15 =	simm.s32 $0xAF80;
	s16 =	simm.s32 $0x13880;
	s4 =	simm.s32 $0x0  }
0x28: {  	[tilespmem:s16], [sflag:$0x1] =	stream.indirect.gather [hbm4b:s14+s18], $0x20, s15, s18, $0xb8;
	[tilespmem:$0x1E880] =	vst v63  }
.LBB2_2:
0x29: {  	s10 =	sshllo.u32 s4, $0x1  }
0x2a: {  	s0 =	sshll.u32 s10, $0x7  }
0x2b: {  	s16 =	sshll.u32 s4, $0x8;
	s0 =	sand.u32 $0x3FFFFF80, s0  }
0x2c: {  	s15 =	sand.u32 $0x3FFFFF00, s16;
	s0 =	sadd.s32 $0x80, s0  }
0x2d: {  	[tilespmem:s19], [sflag:$0x2] =	stream.indirect.gather [hbm4b:s3+s18], $0x20, s0, s18, $0xb8;
	[tilespmem:$0x1E880] =	vst v63  }
0x2e: {  	s0 =	sadd.s32 $0x1A00, s15  }
0x2f: {  	[tilespmem:s20], [sflag:$0x2] =	stream.indirect.gather [hbm4b:s7+s18], $0x20, s0, s18, $0xb8;
	[tilespmem:$0x1E880] =	vst v63  }
0x30: {  	s2 =	sadd.s32 $0x3300, s15  }
0x31: {  	[tilespmem:s21], [sflag:$0x2] =	stream.indirect.gather [hbm4b:s8+s18], $0x20, s2, s18, $0xb8;
	[tilespmem:$0x1E880] =	vst v63  }
0x32: {  	s16 =	sadd.s32 $0x4C00, s15  }
0x33: {  	[tilespmem:s22], [sflag:$0x2] =	stream.indirect.gather [hbm4b:s9+s18], $0x20, s16, s18, $0xb8;
	[tilespmem:$0x1E880] =	vst v63  }
0x34: {  	s2 =	sadd.s32 $0x6500, s15  }
0x35: {  	[tilespmem:s23], [sflag:$0x2] =	stream.indirect.gather [hbm4b:s11+s18], $0x20, s2, s18, $0xb8;
	[tilespmem:$0x1E880] =	vst v63  }
0x36: {  	s16 =	sadd.s32 $0x7E00, s15  }
0x37: {  	[tilespmem:s24], [sflag:$0x2] =	stream.indirect.gather [hbm4b:s12+s18], $0x20, s16, s18, $0xb8;
	[tilespmem:$0x1E880] =	vst v63  }
0x38: {  	s2 =	sadd.s32 $0x9700, s15  }
0x39: {  	[tilespmem:s25], [sflag:$0x2] =	stream.indirect.gather [hbm4b:s13+s18], $0x20, s2, s18, $0xb8;
	[tilespmem:$0x1E880] =	vst v63  }
0x3a: {  	s16 =	sadd.s32 $0xB000, s15  }
0x3b: {  	[tilespmem:s26], [sflag:$0x2] =	stream.indirect.gather [hbm4b:s14+s18], $0x20, s16, s18, $0xb8;
	[tilespmem:$0x1E880] =	vst v63  }
0x3c: {  	_ =	swait.ge [sflag:s28], $0x1000  }
0x3d: {  	[sflag:s28] =	ssyncset.done $0x0  }
0x3e: {  	[sflag:s28] =	ssyncadd.s32 $0xFFFFF000  }
0x3f: {  	_ =	swait.ge [sflag:s28], $0x1000  }
0x40: {  	[sflag:s28] =	ssyncset.done $0x0  }
0x41: {  	[sflag:s28] =	ssyncadd.s32 $0xFFFFF000  }
0x42: {  	_ =	swait.ge [sflag:s28], $0x1000  }
0x43: {  	[sflag:s28] =	ssyncset.done $0x0  }
0x44: {  	[sflag:s28] =	ssyncadd.s32 $0xFFFFF000  }
0x45: {  	_ =	swait.ge [sflag:s28], $0x1000  }
0x46: {  	[sflag:s28] =	ssyncset.done $0x0  }
0x47: {  	[sflag:s28] =	ssyncadd.s32 $0xFFFFF000  }
0x48: {  	_ =	swait.ge [sflag:s28], $0x1000  }
0x49: {  	[sflag:s28] =	ssyncset.done $0x0  }
0x4a: {  	[sflag:s28] =	ssyncadd.s32 $0xFFFFF000  }
0x4b: {  	_ =	swait.ge [sflag:s28], $0x1000  }
0x4c: {  	[sflag:s28] =	ssyncset.done $0x0  }
0x4d: {  	[sflag:s28] =	ssyncadd.s32 $0xFFFFF000  }
0x4e: {  	_ =	swait.ge [sflag:s28], $0x1000  }
0x4f: {  	[sflag:s28] =	ssyncset.done $0x0  }
0x50: {  	[sflag:s28] =	ssyncadd.s32 $0xFFFFF000  }
0x51: {  	_ =	swait.ge [sflag:s28], $0x1000  }
0x52: {  	p0 =	seq.s32 s4, $0x0;
	[sflag:s28] =	ssyncset.done $0x0  }
0x53: {  	s0 =	simm.s32 @!p0 $0x3;
	[sflag:s28] =	ssyncadd.s32 $0xFFFFF000  }
0x54: {  	_ =	swait.ge @!p0 [sflag:s0], $0x1000  }
0x55: {  	[sflag:s0] =	ssyncset.done @!p0 $0x0  }
0x56: {  	s2 =	simm.s32 $0x0;
	[sflag:s0] =	ssyncadd.s32 @!p0 $0xFFFFF000  }
0x57: {  	v2 =	vld [tilespmem:s2+$0x13880]  }
0x58: {  	v3 =	vld [tilespmem:s2+$0x12880]  }
0x59: {  	v4 =	vld [tilespmem:s2+$0x11880]  }
0x5a: {  	v5 =	vld [tilespmem:s2+$0x10880]  }
0x5b: {  	v6 =	vld [tilespmem:s2+$0xF880]  }
0x5c: {  	v7 =	vld [tilespmem:s2+$0xE880]  }
0x5d: {  	v8 =	vld [tilespmem:s2+$0xC890]  }
0x5e: {  	v9 =	vld [tilespmem:s2+$0xC880]  }
0x5f: {  	v10 =	vld [tilespmem:s2+$0xD880]  }
0x60: {  	v11 =	vld [tilespmem:$0x0]  }
0x61: {  	v12 =	vld [tilespmem:$0x10]  }
0x62: {  	v13 =	vld [tilespmem:s2+$0xD890]  }
0x63: {  	v14 =	vld [tilespmem:$0x20]  }
0x64: {  	v15 =	vld [tilespmem:s2+$0xE890]  }
0x65: {  	v16 =	vld [tilespmem:$0x30]  }
0x66: {  	v17 =	vld [tilespmem:s2+$0xF890];
	v9 =	vmul.f32 v11, v9;
	v10 =	vmul.f32 v12, v10  }
0x67: {  	v8 =	vmul.f32 v8, v11;
	v11 =	vmul.f32 v13, v12;
	v12 =	vld [tilespmem:$0x40]  }
0x68: {  	v7 =	vmul.f32 v14, v7;
	v9 =	vadd.f32 v10, v9;
	v10 =	vld [tilespmem:s2+$0x10890]  }
0x69: {  	v13 =	vld [tilespmem:$0x50];
	v8 =	vadd.f32 v11, v8;
	v11 =	vmul.f32 v15, v14  }
0x6a: {  	v6 =	vmul.f32 v16, v6;
	v7 =	vadd.f32 v7, v9;
	v9 =	vld [tilespmem:s2+$0x11890]  }
0x6b: {  	v14 =	vld [tilespmem:$0x60];
	v8 =	vadd.f32 v11, v8;
	v11 =	vmul.f32 v17, v16  }
0x6c: {  	s0 =	simm.s32 $0x0;
	v5 =	vmul.f32 v12, v5;
	v6 =	vadd.f32 v6, v7;
	v7 =	vld [tilespmem:s2+$0x12890]  }
0x6d: {  	v8 =	vadd.f32 v11, v8;
	v11 =	vld [tilespmem:$0x70];
	v10 =	vmul.f32 v10, v12;
	v12 =	vmov s0  }
0x6e: {  	v4 =	vmul.f32 v13, v4;
	v5 =	vadd.f32 v5, v6;
	v6 =	vld [tilespmem:s2+$0x13890];
	v12 =	vand.u32 $0x7F, v12  }
0x6f: {  	v8 =	vadd.f32 v10, v8;
	v9 =	vmul.f32 v9, v13;
	v10 =	vbroadcast v12, $0x0  }
0x70: {  	v3 =	vmul.f32 v14, v3;
	v4 =	vadd.f32 v4, v5  }
0x71: {  	v5 =	vadd.f32 v9, v8;
	v7 =	vmul.f32 v7, v14;
	v8 =	vor.u32 v0, v10  }
0x72: {  	v2 =	vmul.f32 v11, v2;
	v3 =	vadd.f32 v3, v4;
	v4 =	vor.u32 v1, v10  }
0x73: {  	v5 =	vadd.f32 v7, v5;
	v6 =	vmul.f32 v6, v11  }
0x74: {  	v2 =	vadd.f32 v2, v3  }
0x75: {  	v3 =	vadd.f32 v6, v5  }
0x76: {  	[tilespmem:v8+s29+$0x0] =	vst.idx.msk $0xffff, v2  }
0x77: {  	s2 =	simm.s32 $0x20;
	[tilespmem:v4+s29+$0x0] =	vst.idx.msk $0xffff, v3  }
0x78: {  	v2 =	vld [tilespmem:s2+$0x13880]  }
0x79: {  	v3 =	vld [tilespmem:s2+$0x12880]  }
0x7a: {  	v4 =	vld [tilespmem:s2+$0x11880]  }
0x7b: {  	v5 =	vld [tilespmem:s2+$0x10880]  }
0x7c: {  	v6 =	vld [tilespmem:s2+$0xF880]  }
0x7d: {  	v7 =	vld [tilespmem:s2+$0xE880]  }
0x7e: {  	v8 =	vld [tilespmem:s2+$0xC890]  }
0x7f: {  	v10 =	vld [tilespmem:s2+$0xC880]  }
0x80: {  	v12 =	vld [tilespmem:s2+$0xD880]  }
0x81: {  	v9 =	vld [tilespmem:$0x0]  }
0x82: {  	s16 =	simm.s32 $0x100;
	v11 =	vld [tilespmem:$0x10]  }
.LBB2_3:
0x83: {  	p1 =	sne.s32 s16, $0x3F80;
	v13 =	vld [tilespmem:s2+$0xD890]  }
0x84: {  	v14 =	vld [tilespmem:$0x20]  }
0x85: {  	v15 =	vld [tilespmem:s2+$0xE890]  }
0x86: {  	v16 =	vld [tilespmem:$0x30]  }
0x87: {  	v10 =	vmul.f32 v9, v10;
	v12 =	vmul.f32 v11, v12;
	v17 =	vld [tilespmem:s2+$0xF890]  }
0x88: {  	v8 =	vmul.f32 v8, v9;
	v9 =	vmul.f32 v13, v11;
	v11 =	vld [tilespmem:$0x40]  }
0x89: {  	v10 =	vadd.f32 v12, v10;
	v7 =	vmul.f32 v14, v7;
	v12 =	vld [tilespmem:s2+$0x10890]  }
0x8a: {  	v8 =	vadd.f32 v9, v8;
	v9 =	vmul.f32 v15, v14;
	v13 =	vld [tilespmem:$0x50]  }
0x8b: {  	v7 =	vadd.f32 v7, v10;
	v6 =	vmul.f32 v16, v6;
	v10 =	vld [tilespmem:s2+$0x11890]  }
0x8c: {  	v8 =	vadd.f32 v9, v8;
	v9 =	vmul.f32 v17, v16;
	v14 =	vld [tilespmem:$0x60]  }
0x8d: {  	s0 =	sadd.s32 $0x1, s0;
	v6 =	vadd.f32 v6, v7;
	v5 =	vmul.f32 v11, v5;
	v7 =	vld [tilespmem:s2+$0x12890]  }
0x8e: {  	v8 =	vadd.f32 v9, v8;
	v9 =	vmul.f32 v12, v11;
	v11 =	vld [tilespmem:$0x70];
	v12 =	vmov s0  }
0x8f: {  	v5 =	vadd.f32 v5, v6;
	v4 =	vmul.f32 v13, v4;
	v6 =	vld [tilespmem:s2+$0x13890];
	v12 =	vand.u32 $0x7F, v12  }
0x90: {  	v8 =	vadd.f32 v9, v8;
	v9 =	vmul.f32 v10, v13;
	v10 =	vbroadcast v12, $0x0  }
0x91: {  	v4 =	vadd.f32 v4, v5;
	v3 =	vmul.f32 v14, v3  }
0x92: {  	v5 =	vadd.f32 v9, v8;
	v7 =	vmul.f32 v7, v14;
	v8 =	vor.u32 v0, v10  }
0x93: {  	v3 =	vadd.f32 v3, v4;
	v2 =	vmul.f32 v11, v2;
	v4 =	vor.u32 v1, v10  }
0x94: {  	v5 =	vadd.f32 v7, v5;
	v6 =	vmul.f32 v6, v11  }
0x95: {  	v2 =	vadd.f32 v2, v3  }
0x96: {  	v3 =	vadd.f32 v6, v5  }
0x97: {  	[tilespmem:v8+s29+$0x0] =	vst.idx.msk $0xffff, v2  }
0x98: {  	s2 =	sshra.s32 s16, $0x2;
	[tilespmem:v4+s29+$0x0] =	vst.idx.msk $0xffff, v3  }
0x99: {  	v2 =	vld [tilespmem:s2+$0x13880]  }
0x9a: {  	v3 =	vld [tilespmem:s2+$0x12880]  }
0x9b: {  	v4 =	vld [tilespmem:s2+$0x11880]  }
0x9c: {  	v5 =	vld [tilespmem:s2+$0x10880]  }
0x9d: {  	v6 =	vld [tilespmem:s2+$0xF880]  }
0x9e: {  	v7 =	vld [tilespmem:s2+$0xE880]  }
.Ltmp0:
0x9f: {  	v8 =	vld [tilespmem:s2+$0xC890];
	(pc) =	sbr.rel @p1 .LBB2_3-.Ltmp0, $4  }
0xa0: {  	v10 =	vld [tilespmem:s2+$0xC880]  }
0xa1: {  	v12 =	vld [tilespmem:s2+$0xD880]  }
0xa2: {  	v9 =	vld [tilespmem:$0x0]  }
0xa3: {  	s16 =	sadd.s32 $0x80, s16;
	v11 =	vld [tilespmem:$0x10]  }
0xa4: {  	v13 =	vld [tilespmem:s2+$0xD890]  }
0xa5: {  	v14 =	vld [tilespmem:$0x20]  }
0xa6: {  	v15 =	vld [tilespmem:s2+$0xE890]  }
0xa7: {  	v16 =	vld [tilespmem:$0x30]  }
0xa8: {  	v17 =	vld [tilespmem:s2+$0xF890];
	v10 =	vmul.f32 v9, v10;
	v12 =	vmul.f32 v11, v12  }
0xa9: {  	v8 =	vmul.f32 v8, v9;
	v9 =	vmul.f32 v13, v11;
	v11 =	vld [tilespmem:$0x40]  }
0xaa: {  	v7 =	vmul.f32 v14, v7;
	v10 =	vadd.f32 v12, v10;
	v12 =	vld [tilespmem:s2+$0x10890]  }
0xab: {  	v13 =	vld [tilespmem:$0x50];
	v8 =	vadd.f32 v9, v8;
	v9 =	vmul.f32 v15, v14  }
0xac: {  	v6 =	vmul.f32 v16, v6;
	v7 =	vadd.f32 v7, v10;
	v10 =	vld [tilespmem:s2+$0x11890]  }
0xad: {  	v14 =	vld [tilespmem:$0x60];
	v8 =	vadd.f32 v9, v8;
	v9 =	vmul.f32 v17, v16  }
0xae: {  	s0 =	sadd.s32 $0x1, s0;
	v6 =	vadd.f32 v6, v7;
	v5 =	vmul.f32 v11, v5;
	v7 =	vld [tilespmem:s2+$0x12890]  }
0xaf: {  	v8 =	vadd.f32 v9, v8;
	v9 =	vmul.f32 v12, v11;
	v11 =	vld [tilespmem:$0x70];
	v12 =	vmov s0  }
0xb0: {  	v4 =	vmul.f32 v13, v4;
	v5 =	vadd.f32 v5, v6;
	v6 =	vld [tilespmem:s2+$0x13890];
	v12 =	vand.u32 $0x7F, v12  }
0xb1: {  	v8 =	vadd.f32 v9, v8;
	v9 =	vmul.f32 v10, v13;
	v10 =	vbroadcast v12, $0x0  }
0xb2: {  	v3 =	vmul.f32 v14, v3;
	v4 =	vadd.f32 v4, v5  }
0xb3: {  	v5 =	vadd.f32 v9, v8;
	v7 =	vmul.f32 v7, v14;
	v8 =	vor.u32 v0, v10  }
0xb4: {  	v3 =	vadd.f32 v3, v4;
	v2 =	vmul.f32 v11, v2;
	v4 =	vor.u32 v1, v10  }
0xb5: {  	v5 =	vadd.f32 v7, v5;
	v6 =	vmul.f32 v6, v11  }
0xb6: {  	s2 =	sshll.u32 s4, $0x12;
	v2 =	vadd.f32 v2, v3  }
0xb7: {  	s0 =	sor.u32 s6, s2;
	v3 =	vadd.f32 v6, v5  }
0xb8: {  	s0 =	sshrl.u32 s0, $0x3;
	[tilespmem:v8+s29+$0x0] =	vst.idx.msk $0xffff, v2  }
0xb9: {  	p1 =	seq.s32 s4, $0x18;
	s0 =	sadd.s32 s5, s0;
	[tilespmem:v4+s29+$0x0] =	vst.idx.msk $0xffff, v3  }
0xba: {  	[hbm4b:s0+s18] =	stream.strided.scatter [tilespmem:s29], [sflag:$0x3], $0x1000, s17, s18, $0x38;
	[tilespmem:$0x1E880] =	vst v63  }
0xbb: {  	s16 =	simm.s32 @!p1 $0xC880;
	s2 =	simm.s32 @!p1 $0x80;
	s0 =	sadd.s32 @!p1 $0x180, s15  }
0xbc: {  	[tilespmem:s16], [sflag:$0x1] =	stream.indirect.gather @!p1 [hbm4b:s3+s2], $0x20, s0, s2, $0xb8;
	[tilespmem:$0x1E880] =	vst v63  }
0xbd: {  	s0 =	sadd.s32 @!p1 $0x1A80, s15;
	s16 =	simm.s32 @!p1 $0xD880  }
0xbe: {  	[tilespmem:s16], [sflag:$0x1] =	stream.indirect.gather @!p1 [hbm4b:s7+s2], $0x20, s0, s2, $0xb8;
	[tilespmem:$0x1E880] =	vst v63  }
0xbf: {  	s0 =	sadd.s32 @!p1 $0x3380, s15;
	s16 =	simm.s32 @!p1 $0xE880  }
0xc0: {  	[tilespmem:s16], [sflag:$0x1] =	stream.indirect.gather @!p1 [hbm4b:s8+s2], $0x20, s0, s2, $0xb8;
	[tilespmem:$0x1E880] =	vst v63  }
0xc1: {  	s0 =	sadd.s32 @!p1 $0x4C80, s15;
	s16 =	simm.s32 @!p1 $0xF880  }
0xc2: {  	[tilespmem:s16], [sflag:$0x1] =	stream.indirect.gather @!p1 [hbm4b:s9+s2], $0x20, s0, s2, $0xb8;
	[tilespmem:$0x1E880] =	vst v63  }
0xc3: {  	s0 =	sadd.s32 @!p1 $0x6580, s15;
	s16 =	simm.s32 @!p1 $0x10880  }
0xc4: {  	[tilespmem:s16], [sflag:$0x1] =	stream.indirect.gather @!p1 [hbm4b:s11+s2], $0x20, s0, s2, $0xb8;
	[tilespmem:$0x1E880] =	vst v63  }
0xc5: {  	s0 =	sadd.s32 @!p1 $0x7E80, s15;
	s16 =	simm.s32 @!p1 $0x11880  }
0xc6: {  	[tilespmem:s16], [sflag:$0x1] =	stream.indirect.gather @!p1 [hbm4b:s12+s2], $0x20, s0, s2, $0xb8;
	[tilespmem:$0x1E880] =	vst v63  }
0xc7: {  	s0 =	sadd.s32 @!p1 $0x9780, s15;
	s16 =	simm.s32 @!p1 $0x12880  }
0xc8: {  	[tilespmem:s16], [sflag:$0x1] =	stream.indirect.gather @!p1 [hbm4b:s13+s2], $0x20, s0, s2, $0xb8;
	[tilespmem:$0x1E880] =	vst v63  }
0xc9: {  	s0 =	sadd.s32 @!p1 $0xB080, s15;
	s15 =	simm.s32 @!p1 $0x13880  }
0xca: {  	[tilespmem:s15], [sflag:$0x1] =	stream.indirect.gather @!p1 [hbm4b:s14+s2], $0x20, s0, s2, $0xb8;
	[tilespmem:$0x1E880] =	vst v63  }
0xcb: {  	_ =	swait.ge [sflag:s30], $0x1000  }
0xcc: {  	[sflag:s30] =	ssyncset.done $0x0  }
0xcd: {  	[sflag:s30] =	ssyncadd.s32 $0xFFFFF000  }
0xce: {  	_ =	swait.ge [sflag:s30], $0x1000  }
0xcf: {  	[sflag:s30] =	ssyncset.done $0x0  }
0xd0: {  	[sflag:s30] =	ssyncadd.s32 $0xFFFFF000  }
0xd1: {  	_ =	swait.ge [sflag:s30], $0x1000  }
0xd2: {  	[sflag:s30] =	ssyncset.done $0x0  }
0xd3: {  	[sflag:s30] =	ssyncadd.s32 $0xFFFFF000  }
0xd4: {  	_ =	swait.ge [sflag:s30], $0x1000  }
0xd5: {  	[sflag:s30] =	ssyncset.done $0x0  }
0xd6: {  	[sflag:s30] =	ssyncadd.s32 $0xFFFFF000  }
0xd7: {  	_ =	swait.ge [sflag:s30], $0x1000  }
0xd8: {  	[sflag:s30] =	ssyncset.done $0x0  }
0xd9: {  	[sflag:s30] =	ssyncadd.s32 $0xFFFFF000  }
0xda: {  	_ =	swait.ge [sflag:s30], $0x1000  }
0xdb: {  	[sflag:s30] =	ssyncset.done $0x0  }
0xdc: {  	[sflag:s30] =	ssyncadd.s32 $0xFFFFF000  }
0xdd: {  	_ =	swait.ge [sflag:s30], $0x1000  }
0xde: {  	[sflag:s30] =	ssyncset.done $0x0  }
0xdf: {  	[sflag:s30] =	ssyncadd.s32 $0xFFFFF000  }
0xe0: {  	_ =	swait.ge [sflag:s30], $0x1000  }
0xe1: {  	[sflag:s30] =	ssyncset.done $0x0  }
0xe2: {  	s0 =	simm.s32 @!p0 $0x4;
	[sflag:s30] =	ssyncadd.s32 $0xFFFFF000  }
0xe3: {  	_ =	swait.ge @!p0 [sflag:s0], $0x1000  }
0xe4: {  	[sflag:s0] =	ssyncset.done @!p0 $0x0  }
0xe5: {  	s16 =	simm.s32 $0x0;
	[sflag:s0] =	ssyncadd.s32 @!p0 $0xFFFFF000  }
0xe6: {  	v2 =	vld [tilespmem:s16+$0x1B880]  }
0xe7: {  	v3 =	vld [tilespmem:s16+$0x1A880]  }
0xe8: {  	v4 =	vld [tilespmem:s16+$0x19880]  }
0xe9: {  	v5 =	vld [tilespmem:s16+$0x18880]  }
0xea: {  	v6 =	vld [tilespmem:s16+$0x17880]  }
0xeb: {  	v7 =	vld [tilespmem:s16+$0x16880]  }
0xec: {  	v8 =	vld [tilespmem:s16+$0x14890]  }
0xed: {  	v9 =	vld [tilespmem:s16+$0x14880]  }
0xee: {  	v10 =	vld [tilespmem:s16+$0x15880]  }
0xef: {  	v11 =	vld [tilespmem:$0x0]  }
0xf0: {  	v12 =	vld [tilespmem:$0x10]  }
0xf1: {  	v13 =	vld [tilespmem:s16+$0x15890]  }
0xf2: {  	v14 =	vld [tilespmem:$0x20]  }
0xf3: {  	v15 =	vld [tilespmem:s16+$0x16890]  }
0xf4: {  	v62 =	vld [tilespmem:$0x30]  }
0xf5: {  	v63 =	vld [tilespmem:s16+$0x17890];
	v9 =	vmul.f32 v11, v9;
	v10 =	vmul.f32 v12, v10  }
0xf6: {  	v8 =	vmul.f32 v8, v11;
	v11 =	vmul.f32 v13, v12;
	v12 =	vld [tilespmem:$0x40]  }
0xf7: {  	v7 =	vmul.f32 v14, v7;
	v9 =	vadd.f32 v10, v9;
	v10 =	vld [tilespmem:s16+$0x18890]  }
0xf8: {  	v13 =	vld [tilespmem:$0x50];
	v8 =	vadd.f32 v11, v8;
	v11 =	vmul.f32 v15, v14  }
0xf9: {  	v6 =	vmul.f32 v62, v6;
	v7 =	vadd.f32 v7, v9;
	v9 =	vld [tilespmem:s16+$0x19890]  }
0xfa: {  	v14 =	vld [tilespmem:$0x60];
	v8 =	vadd.f32 v11, v8;
	v11 =	vmul.f32 v63, v62  }
0xfb: {  	s0 =	simm.s32 $0x0;
	v5 =	vmul.f32 v12, v5;
	v6 =	vadd.f32 v6, v7;
	v7 =	vld [tilespmem:s16+$0x1A890]  }
0xfc: {  	v8 =	vadd.f32 v11, v8;
	v11 =	vld [tilespmem:$0x70];
	v10 =	vmul.f32 v10, v12;
	v12 =	vmov s0  }
0xfd: {  	v4 =	vmul.f32 v13, v4;
	v5 =	vadd.f32 v5, v6;
	v6 =	vld [tilespmem:s16+$0x1B890];
	v12 =	vand.u32 $0x7F, v12  }
0xfe: {  	v8 =	vadd.f32 v10, v8;
	v9 =	vmul.f32 v9, v13;
	v10 =	vbroadcast v12, $0x0  }
0xff: {  	v3 =	vmul.f32 v14, v3;
	v4 =	vadd.f32 v4, v5  }
0x100: {  	v5 =	vadd.f32 v9, v8;
	v7 =	vmul.f32 v7, v14;
	v8 =	vor.u32 v0, v10  }
0x101: {  	v2 =	vmul.f32 v11, v2;
	v3 =	vadd.f32 v3, v4;
	v4 =	vor.u32 v1, v10  }
0x102: {  	v5 =	vadd.f32 v7, v5;
	v6 =	vmul.f32 v6, v11  }
0x103: {  	v2 =	vadd.f32 v2, v3  }
0x104: {  	v3 =	vadd.f32 v6, v5  }
0x105: {  	[tilespmem:v8+s31+$0x0] =	vst.idx.msk $0xffff, v2  }
0x106: {  	s2 =	simm.s32 $0x20;
	[tilespmem:v4+s31+$0x0] =	vst.idx.msk $0xffff, v3  }
0x107: {  	v2 =	vld [tilespmem:s2+$0x1B880]  }
0x108: {  	v3 =	vld [tilespmem:s2+$0x1A880]  }
0x109: {  	v4 =	vld [tilespmem:s2+$0x19880]  }
0x10a: {  	v5 =	vld [tilespmem:s2+$0x18880]  }
0x10b: {  	v6 =	vld [tilespmem:s2+$0x17880]  }
0x10c: {  	v7 =	vld [tilespmem:s2+$0x16880]  }
0x10d: {  	v8 =	vld [tilespmem:s2+$0x14890]  }
0x10e: {  	v10 =	vld [tilespmem:s2+$0x14880]  }
0x10f: {  	v12 =	vld [tilespmem:s2+$0x15880]  }
0x110: {  	v9 =	vld [tilespmem:$0x0]  }
0x111: {  	s15 =	simm.s32 $0x100;
	v11 =	vld [tilespmem:$0x10]  }
.LBB2_5:
0x112: {  	p0 =	sne.s32 s15, $0x3F80;
	v13 =	vld [tilespmem:s2+$0x15890]  }
0x113: {  	v14 =	vld [tilespmem:$0x20]  }
0x114: {  	v15 =	vld [tilespmem:s2+$0x16890]  }
0x115: {  	v16 =	vld [tilespmem:$0x30]  }
0x116: {  	v10 =	vmul.f32 v9, v10;
	v12 =	vmul.f32 v11, v12;
	v17 =	vld [tilespmem:s2+$0x17890]  }
0x117: {  	v8 =	vmul.f32 v8, v9;
	v9 =	vmul.f32 v13, v11;
	v11 =	vld [tilespmem:$0x40]  }
0x118: {  	v10 =	vadd.f32 v12, v10;
	v7 =	vmul.f32 v14, v7;
	v12 =	vld [tilespmem:s2+$0x18890]  }
0x119: {  	v8 =	vadd.f32 v9, v8;
	v9 =	vmul.f32 v15, v14;
	v13 =	vld [tilespmem:$0x50]  }
0x11a: {  	v7 =	vadd.f32 v7, v10;
	v6 =	vmul.f32 v16, v6;
	v10 =	vld [tilespmem:s2+$0x19890]  }
0x11b: {  	v8 =	vadd.f32 v9, v8;
	v9 =	vmul.f32 v17, v16;
	v14 =	vld [tilespmem:$0x60]  }
0x11c: {  	s0 =	sadd.s32 $0x1, s0;
	v6 =	vadd.f32 v6, v7;
	v5 =	vmul.f32 v11, v5;
	v7 =	vld [tilespmem:s2+$0x1A890]  }
0x11d: {  	v8 =	vadd.f32 v9, v8;
	v9 =	vmul.f32 v12, v11;
	v11 =	vld [tilespmem:$0x70];
	v12 =	vmov s0  }
0x11e: {  	v5 =	vadd.f32 v5, v6;
	v4 =	vmul.f32 v13, v4;
	v6 =	vld [tilespmem:s2+$0x1B890];
	v12 =	vand.u32 $0x7F, v12  }
0x11f: {  	v8 =	vadd.f32 v9, v8;
	v9 =	vmul.f32 v10, v13;
	v10 =	vbroadcast v12, $0x0  }
0x120: {  	v4 =	vadd.f32 v4, v5;
	v3 =	vmul.f32 v14, v3  }
0x121: {  	v5 =	vadd.f32 v9, v8;
	v7 =	vmul.f32 v7, v14;
	v8 =	vor.u32 v0, v10  }
0x122: {  	v3 =	vadd.f32 v3, v4;
	v2 =	vmul.f32 v11, v2;
	v4 =	vor.u32 v1, v10  }
0x123: {  	v5 =	vadd.f32 v7, v5;
	v6 =	vmul.f32 v6, v11  }
0x124: {  	v2 =	vadd.f32 v2, v3  }
0x125: {  	v3 =	vadd.f32 v6, v5  }
0x126: {  	[tilespmem:v8+s31+$0x0] =	vst.idx.msk $0xffff, v2  }
0x127: {  	s2 =	sshra.s32 s15, $0x2;
	[tilespmem:v4+s31+$0x0] =	vst.idx.msk $0xffff, v3  }
0x128: {  	v2 =	vld [tilespmem:s2+$0x1B880]  }
0x129: {  	v3 =	vld [tilespmem:s2+$0x1A880]  }
0x12a: {  	v4 =	vld [tilespmem:s2+$0x19880]  }
0x12b: {  	v5 =	vld [tilespmem:s2+$0x18880]  }
0x12c: {  	v6 =	vld [tilespmem:s2+$0x17880]  }
0x12d: {  	v7 =	vld [tilespmem:s2+$0x16880]  }
.Ltmp1:
0x12e: {  	v8 =	vld [tilespmem:s2+$0x14890];
	(pc) =	sbr.rel @p0 .LBB2_5-.Ltmp1, $4  }
0x12f: {  	v10 =	vld [tilespmem:s2+$0x14880]  }
0x130: {  	v12 =	vld [tilespmem:s2+$0x15880]  }
0x131: {  	v9 =	vld [tilespmem:$0x0]  }
0x132: {  	s15 =	sadd.s32 $0x80, s15;
	v11 =	vld [tilespmem:$0x10]  }
0x133: {  	v13 =	vld [tilespmem:s2+$0x15890]  }
0x134: {  	v14 =	vld [tilespmem:$0x20]  }
0x135: {  	v15 =	vld [tilespmem:s2+$0x16890]  }
0x136: {  	v16 =	vld [tilespmem:$0x30]  }
0x137: {  	v17 =	vld [tilespmem:s2+$0x17890];
	v10 =	vmul.f32 v9, v10;
	v12 =	vmul.f32 v11, v12  }
0x138: {  	v47 =	vld [tilespmem:$0x40];
	v8 =	vmul.f32 v8, v9;
	v46 =	vmul.f32 v13, v11  }
0x139: {  	v48 =	vld [tilespmem:s2+$0x18890];
	v7 =	vmul.f32 v14, v7;
	v10 =	vadd.f32 v12, v10  }
0x13a: {  	v50 =	vld [tilespmem:$0x50];
	v49 =	vmul.f32 v15, v14;
	v8 =	vadd.f32 v46, v8  }
0x13b: {  	v51 =	vld [tilespmem:s2+$0x19890];
	v6 =	vmul.f32 v16, v6;
	v7 =	vadd.f32 v7, v10  }
0x13c: {  	v53 =	vld [tilespmem:$0x60];
	v52 =	vmul.f32 v17, v16;
	v8 =	vadd.f32 v49, v8  }
0x13d: {  	v54 =	vld [tilespmem:s2+$0x1A890];
	s0 =	sadd.s32 $0x1, s0;
	v5 =	vmul.f32 v47, v5;
	v6 =	vadd.f32 v6, v7  }
0x13e: {  	v56 =	vld [tilespmem:$0x70];
	v57 =	vmov s0;
	v55 =	vmul.f32 v48, v47;
	v8 =	vadd.f32 v52, v8  }
0x13f: {  	v58 =	vld [tilespmem:s2+$0x1B890];
	v4 =	vmul.f32 v50, v4;
	v12 =	vand.u32 $0x7F, v57;
	v5 =	vadd.f32 v5, v6  }
0x140: {  	v59 =	vmul.f32 v51, v50;
	v60 =	vbroadcast v12, $0x0;
	v8 =	vadd.f32 v55, v8  }
0x141: {  	v3 =	vmul.f32 v53, v3;
	v4 =	vadd.f32 v4, v5  }
0x142: {  	v62 =	vor.u32 v0, v60;
	v7 =	vmul.f32 v54, v53;
	v61 =	vadd.f32 v59, v8  }
0x143: {  	s4 =	sadd.s32 $0x1, s4;
	v2 =	vmul.f32 v56, v2;
	v63 =	vor.u32 v1, v60;
	v3 =	vadd.f32 v3, v4  }
0x144: {  	p0 =	sne.s32 s4, $0x19;
	v6 =	vmul.f32 v58, v56;
	v5 =	vadd.f32 v7, v61  }
.Ltmp2:
0x145: {  	s16 =	sshll.u32 s10, $0x11;
	v2 =	vadd.f32 v2, v3;
	(pc) =	sbr.rel @p0 .LBB2_2-.Ltmp2, $4  }
0x146: {  	s0 =	sor.u32 s6, s16;
	v3 =	vadd.f32 v6, v5  }
0x147: {  	s0 =	sshrl.u32 s0, $0x3;
	[tilespmem:v62+s31+$0x0] =	vst.idx.msk $0xffff, v2  }
0x148: {  	s0 =	sadd.s32 s5, s0;
	[tilespmem:v63+s31+$0x0] =	vst.idx.msk $0xffff, v3  }
0x149: {  	[hbm4b:s0+s18] =	stream.strided.scatter [tilespmem:s31], [sflag:$0x4], $0x1000, s17, s18, $0x38;
	[tilespmem:$0x1E880] =	vst v63  }
0x14a: {  	s0 =	simm.s32 $0x3  }
0x14b: {  	_ =	swait.ge [sflag:s0], $0x1000  }
0x14c: {  	[sflag:s0] =	ssyncset.done $0x0  }
0x14d: {  	s2 =	simm.s32 $0x4;
	[sflag:s0] =	ssyncadd.s32 $0xFFFFF000  }
0x14e: {  	_ =	swait.ge [sflag:s2], $0x1000  }
0x14f: {  	s1 =	sadd.s32 $0x1, s1;
	s16 =	rddreg [dreg:$0x5]  }
0x150: {  	p0 =	sne.s32 s1, s16  }
.Ltmp3:
0x151: {  	_ = 	snop;
	(pc) =	sbr.rel @p0 .LBB2_1-.Ltmp3, $3  }
0x152: {  	_ =	sdelay $0x1  }
0x153: {  	[sflag:s2] =	ssyncset.done $0x0  }
0x154: {  	[sflag:s2] =	ssyncadd.s32 $0xFFFFF000  }
0x155: {  	_ =	sfence.sel $0x180000  }
0x156: {  	[bflag:$0x0] =	sbarrier.arrive $0xFFFF  }
0x157: {  	_ =	strace $0x90000047  }
0x158: {  	s0 =	stileid.u32;
	[bflag:$0x2] =	sbarrier.arrive $0xFFFF  }
0x159: {  	p0 =	sne.s32 s0, $0x0;
	s0 =	rddreg [dreg:$0x2]  }
0x15a: {  	s0 =	sadd.s32 @!p0 $0x100000, s0  }
0x15b: {  	[sflag:s0] =	ssyncadd.tile.s32 @!p0 $0x1;
	_ =	shalt  }
.Lfunc_end2:
_tile_overlayer_lowered:
.L_overlay_start_2:
0x15c: {  	(tag) =	ssettag $0x2  }
0x15d: {  	s0 =	rddreg [dreg:$0x0];
	s2 =	stileid.u32  }
0x15e: {  	s1 =	rddreg [dreg:$0x1];
	p0 =	sne.s32 s2, $0x0  }
0x15f: {  	s3 =	rddreg [dreg:$0x2];
	[bflag:$0x3] =	sbarrier.arrive $0xFFFF;
	s2 =	simm.s32 @!p0 $0x1C05  }
0x160: {  	[timem:s3], [sflag:s2] =	dma.local @!p0 [hbm:s0], s1  }
0x161: {  	s0 =	simm.s32 @!p0 $0x5  }
0x162: {  	_ =	swait.ge @!p0 [sflag:s0], s1  }
0x163: {  	s1 =	ssub.s32 @!p0 $0x0, s1;
	[sflag:s0] =	ssyncset.done @!p0 $0x0  }
0x164: {  	[sflag:s0] =	ssyncadd.s32 @!p0 s1  }
0x165: {  	[bflag:$0x3] =	sbarrier.arrive $0xFFFF  }
0x166: {  	_ =	shalt  }

</sc_bundles>
